<compile_context>
chip_gen: v7x
topology: tpu7x:2x2x1
jax: 0.10.2.dev20260603
libtpu: 0.0.44.dev20260713+nightly
codegen_flags: <defaults>
</compile_context>

<pallas_src>
import functools

import jax
import jax.numpy as jnp
from jax import lax
from jax.experimental import pallas as pl
from jax.experimental.pallas import tpu as pltpu
from jax.experimental.pallas import tpu_sc as plsc

_NC = 2
_NS = 16
_B, _C, _H, _W, _K = 32, 8, 128, 128, 128
_HW = _H * _W


def _gather_body(outflat_hbm, index_hbm, out_hbm, idx_v, vals_v, isem, gsem, osem):
    wid = lax.axis_index("s") * _NC + lax.axis_index("c")
    ch = wid // 4
    rb = wid % 4

    stage = [
        pltpu.async_copy(
            index_hbm.at[pl.ds(rb * 8 + h * 4, 4)],
            idx_v.at[pl.ds(h * 4, 4)],
            isem.at[h],
        )
        for h in range(2)
    ]

    gathers = []
    for h in range(2):
        stage[h].wait()
        for g in range(h * 4, h * 4 + 4):
            gathers.append(
                pltpu.async_copy(
                    outflat_hbm.at[pl.ds(((rb * 8 + g) * _C + ch) * _HW, _HW)].at[
                        idx_v.at[g]
                    ],
                    vals_v.at[g],
                    gsem.at[g],
                )
            )
    stores = []
    for g in range(8):
        gathers[g].wait()
        stores.append(
            pltpu.async_copy(
                vals_v.at[g],
                out_hbm.at[ch * _B + rb * 8 + g],
                osem.at[g],
            )
        )
    for s in stores:
        s.wait()


@functools.partial(jax.jit)
def _sc_gather(outflat, index):
    mesh = plsc.VectorSubcoreMesh(core_axis_name="c", subcore_axis_name="s")
    kern = functools.partial(
        pl.kernel,
        mesh=mesh,
        out_type=jax.ShapeDtypeStruct((_C * _B, _K), jnp.float32),
        scratch_types=[
            pltpu.VMEM((8, 128), jnp.int32),
            pltpu.VMEM((8, 128), jnp.float32),
            pltpu.SemaphoreType.DMA((2,)),
            pltpu.SemaphoreType.DMA((8,)),
            pltpu.SemaphoreType.DMA((8,)),
        ],
    )(_gather_body)
    return kern(outflat, index)


def _loss_body(pred_ref, mask_ref, tb_ref, tr_ref, out_ref):
    m = mask_ref[...].astype(jnp.float32)
    o = [pred_ref[i] for i in range(8)]
    tb1 = tb_ref[0]
    tb2 = tb_ref[1]
    tr1 = tr_ref[0]
    tr2 = tr_ref[1]

    def ce_num(a, b, t):
        mx = jnp.maximum(a, b)
        logz = mx + jnp.log(jnp.exp(a - mx) + jnp.exp(b - mx))
        ll = jnp.where(t == 0, a, b)
        return jnp.sum((logz - ll) * m)

    msum = jnp.sum(m)
    bin_num = ce_num(o[0], o[1], tb1) + ce_num(o[4], o[5], tb2)
    loss_bin = jnp.where(msum > 0, bin_num / jnp.maximum(msum, 1.0), 0.0)

    def sl1(p, t):
        d = p - t
        ad = jnp.abs(d)
        return jnp.where(ad < 1.0, 0.5 * d * d, ad - 0.5)

    ind1 = (tb1 != 0).astype(jnp.float32)
    ind2 = (tb2 != 0).astype(jnp.float32)
    num1 = jnp.sum((sl1(o[2], jnp.sin(tr1)) + sl1(o[3], jnp.cos(tr1))) * ind1)
    num2 = jnp.sum((sl1(o[6], jnp.sin(tr2)) + sl1(o[7], jnp.cos(tr2))) * ind2)
    den1 = jnp.sum(ind1)
    den2 = jnp.sum(ind2)
    loss_res = jnp.where(den1 > 0, num1 / jnp.maximum(den1, 1.0), 0.0)
    loss_res += jnp.where(den2 > 0, num2 / jnp.maximum(den2, 1.0), 0.0)

    out_ref[0, 0] = loss_bin + loss_res


def _tc_loss(pred_cm, mask, tb, tr):
    return pl.pallas_call(
        _loss_body,
        out_shape=jax.ShapeDtypeStruct((1, 1), jnp.float32),
        out_specs=pl.BlockSpec(memory_space=pltpu.SMEM),
    )(pred_cm, mask, tb, tr)


def kernel(output, mask, index, rotbin, rotres):
    outflat = output.reshape(-1)
    pred2d = _sc_gather(outflat, index)
    pred_cm = pred2d.reshape(_C, _B, _K)
    tb = rotbin.transpose(2, 0, 1)
    tr = rotres.transpose(2, 0, 1)
    loss = _tc_loss(pred_cm, mask, tb, tr)
    return loss[0, 0]

# --- scband reference (transcript-rebuilt; emitter-appended) ---
"""Pipeline reference for scband-bin-rot-loss-996432412701 (READ-ONLY COPY).

The authoritative reference and input builder live on the scoring server;
editing this copy changes nothing except your own understanding.
"""

import jax, jax.numpy as jnp
import numpy as np


def smooth_l1(pred, target):
    d = pred - target
    ad = jnp.abs(d)
    return jnp.where(ad < 1.0, 0.5 * d * d, ad - 0.5)


def weighted_mean(vals, w):
    s = jnp.sum(w)
    return jnp.where(s > 0, jnp.sum(vals * w) / jnp.maximum(s, 1.0), 0.0)


def ce_masked(logits, target, w):
    # masked mean cross-entropy, equivalent to F.cross_entropy(output[mask], target[mask], 'mean')
    logz = jax.scipy.special.logsumexp(logits, axis=-1)
    ll = jnp.take_along_axis(logits, target[:, None], axis=-1)[:, 0]
    return weighted_mean(logz - ll, w)


def setup_inputs(seed: int = 0) -> dict:
    key = jax.random.key(seed)
    k1, k2, k3, k4, k5 = jax.random.split(key, 5)
    B, C, H, W, K = 32, 8, 128, 128, 128
    output = jax.random.normal(k1, (B, C, H, W), dtype=jnp.float32)
    mask = jax.random.randint(k2, (B, K), 0, 2, dtype=jnp.int32)
    index = jax.random.randint(k3, (B, K), 0, H * W, dtype=jnp.int32)
    rotbin = jax.random.randint(k4, (B, K, 2), 0, 2, dtype=jnp.int32)
    rotres = jax.random.normal(k5, (B, K, 2), dtype=jnp.float32)
    return {"output": output, "mask": mask, "index": index, "rotbin": rotbin, "rotres": rotres}


def reference(output, mask, index, rotbin, rotres):
    B, C, H, W = output.shape
    K = index.shape[1]
    # gather_feature(output, index, use_transform=True)
    fmap = output.reshape(B, C, H * W).transpose(0, 2, 1)  # [B, HW, C]
    idx = jnp.broadcast_to(index[:, :, None].astype(jnp.int32), (B, K, C))
    pred = jnp.take_along_axis(fmap, idx, axis=1)  # [B, K, C]

    out = pred.reshape(-1, 8)
    tb = rotbin.reshape(-1, 2)
    tr = rotres.reshape(-1, 2)
    m = mask.reshape(-1).astype(jnp.float32)

    loss_bin1 = ce_masked(out[:, 0:2], tb[:, 0], m)
    loss_bin2 = ce_masked(out[:, 4:6], tb[:, 1], m)

    ind1 = (tb[:, 0] != 0).astype(jnp.float32)
    ind2 = (tb[:, 1] != 0).astype(jnp.float32)
    loss_sin1 = weighted_mean(smooth_l1(out[:, 2], jnp.sin(tr[:, 0])), ind1)
    loss_cos1 = weighted_mean(smooth_l1(out[:, 3], jnp.cos(tr[:, 0])), ind1)
    loss_sin2 = weighted_mean(smooth_l1(out[:, 6], jnp.sin(tr[:, 1])), ind2)
    loss_cos2 = weighted_mean(smooth_l1(out[:, 7], jnp.cos(tr[:, 1])), ind2)
    loss_res = loss_sin1 + loss_cos1 + loss_sin2 + loss_cos2

    return loss_bin1 + loss_bin2 + loss_res

if __name__ == "__main__":
    import jax
    _d = setup_inputs()
    print(jax.jit(kernel)(*tuple(_d.values())))

</pallas_src>

<mosaic_0001>
#map = affine_map<(d0, d1) -> (0)>
#map1 = affine_map<(d0, d1) -> (0, 0)>
module attributes {stable_mosaic.version = 14 : i64} {
  func.func @_gather_body(%arg0: i32, %arg1: i32, %arg2: memref<4194304xf32, #tpu.memory_space<hbm>>, %arg3: memref<32x128xi32, #tpu.memory_space<hbm>>, %arg4: memref<256x128xf32, #tpu.memory_space<hbm>>, %arg5: memref<8x128xi32, #tpu.memory_space<vmem>>, %arg6: memref<8x128xf32, #tpu.memory_space<vmem>>, %arg7: memref<2x!tpu.dma_semaphore, #tpu.memory_space<semaphore_mem>>, %arg8: memref<8x!tpu.dma_semaphore, #tpu.memory_space<semaphore_mem>>, %arg9: memref<8x!tpu.dma_semaphore, #tpu.memory_space<semaphore_mem>>) attributes {dimension_semantics = [#tpu.dimension_semantics<core_parallel>, #tpu.dimension_semantics<subcore_parallel>], iteration_bounds = array<i64: 2, 16>, scalar_prefetch = 0 : i64, scratch_operands = 5 : i64, tpu.core_type = #tpu.core_type<sc_vector_subcore>, window_params = [{transform_indices = #map}, {transform_indices = #map1}, {transform_indices = #map1}]} {
    %mul3A = arith.constant 2 : i32
    %mul3A_0 = arith.muli %arg1, %mul3A : i32
    %add3A = arith.addi %mul3A_0, %arg0 : i32
    %jit3A = arith.constant 4 : i32
    %div3A = arith.divsi %add3A, %jit3A : i32
    %sign3A = arith.constant 0 : i32
    %sign3A_1 = arith.cmpi sgt, %add3A, %sign3A : i32
    %sign3A_2 = arith.extui %sign3A_1 : i1 to i32
    %sign3A_3 = arith.constant 0 : i32
    %sign3A_4 = arith.cmpi slt, %add3A, %sign3A_3 : i32
    %sign3A_5 = arith.extui %sign3A_4 : i1 to i32
    %sign3A_6 = arith.subi %sign3A_2, %sign3A_5 : i32
    %sign3A_7 = arith.constant 0 : i32
    %sign3A_8 = arith.cmpi sgt, %jit3A, %sign3A_7 : i32
    %sign3A_9 = arith.extui %sign3A_8 : i1 to i32
    %sign3A_10 = arith.constant 0 : i32
    %sign3A_11 = arith.cmpi slt, %jit3A, %sign3A_10 : i32
    %sign3A_12 = arith.extui %sign3A_11 : i1 to i32
    %sign3A_13 = arith.subi %sign3A_9, %sign3A_12 : i32
    %ne3A = arith.cmpi ne, %sign3A_6, %sign3A_13 : i32
    %rem3A = arith.remsi %add3A, %jit3A : i32
    %ne3A_14 = arith.constant 0 : i32
    %ne3A_15 = arith.cmpi ne, %rem3A, %ne3A_14 : i32
    %and3A = arith.andi %ne3A, %ne3A_15 : i1
    %sub3A = arith.constant 1 : i32
    %sub3A_16 = arith.subi %div3A, %sub3A : i32
    %select_n3A = arith.select %and3A, %sub3A_16, %div3A : i32
    %jit3A_17 = arith.constant 4 : i32
    %eq3A = arith.constant 0 : i32
    %eq3A_18 = arith.cmpi eq, %jit3A_17, %eq3A : i32
    %jit3A_19 = arith.constant 1 : i32
    %select_n3A_20 = arith.select %eq3A_18, %jit3A_19, %jit3A_17 : i32
    %rem3A_21 = arith.remsi %add3A, %select_n3A_20 : i32
    %ne3A_22 = arith.constant 0 : i32
    %ne3A_23 = arith.cmpi ne, %rem3A_21, %ne3A_22 : i32
    %lt3A = arith.constant 0 : i32
    %lt3A_24 = arith.cmpi slt, %rem3A_21, %lt3A : i32
    %lt3A_25 = arith.constant 0 : i32
    %lt3A_26 = arith.cmpi slt, %select_n3A_20, %lt3A_25 : i32
    %ne3A_27 = arith.xori %lt3A_24, %lt3A_26 : i1
    %and3A_28 = arith.andi %ne3A_27, %ne3A_23 : i1
    %add3A_29 = arith.addi %rem3A_21, %select_n3A_20 : i32
    %select_n3A_30 = arith.select %and3A_28, %add3A_29, %rem3A_21 : i32
    %mul3A_31 = arith.constant 8 : i32
    %mul3A_32 = arith.muli %select_n3A_30, %mul3A_31 : i32
    %add3A_33 = arith.constant 0 : i32
    %add3A_34 = arith.addi %mul3A_32, %add3A_33 : i32
    %dma_start3A = arith.constant 0 : i32
    %dma_start3A_35 = arith.constant 0 : i32
    %dma_start3A_36 = arith.constant 0 : i32
    %dma_start3A_37 = tpu.memref_slice %arg5[%dma_start3A_35, %dma_start3A_36] : memref<8x128xi32, #tpu.memory_space<vmem>> -> memref<4x128xi32, #tpu.memory_space<vmem>>
    %dma_start3A_38 = arith.constant 0 : i32
    %dma_start3A_39 = tpu.memref_slice %arg3[%add3A_34, %dma_start3A_38] : memref<32x128xi32, #tpu.memory_space<hbm>> -> memref<4x128xi32, #tpu.memory_space<hbm>>
    %dma_start3A_40 = tpu.memref_slice %arg7[%dma_start3A] : memref<2x!tpu.dma_semaphore, #tpu.memory_space<semaphore_mem>> -> memref<1x!tpu.dma_semaphore, #tpu.memory_space<semaphore_mem>>
    %dma_start3A_41 = tpu.memref_squeeze %dma_start3A_40 : memref<1x!tpu.dma_semaphore, #tpu.memory_space<semaphore_mem>> -> memref<!tpu.dma_semaphore, #tpu.memory_space<semaphore_mem>>
    %dma_start3A_42 = arith.constant 0 : i32
    %dma_start3A_43 = arith.constant 0 : i32
    %dma_start3A_44 = tpu.memref_slice %arg5[%dma_start3A_42, %dma_start3A_43] : memref<8x128xi32, #tpu.memory_space<vmem>> -> memref<4x128xi32, #tpu.memory_space<vmem>>
    %dma_start3A_45 = arith.constant 0 : i32
    %dma_start3A_46 = tpu.memref_slice %arg3[%add3A_34, %dma_start3A_45] : memref<32x128xi32, #tpu.memory_space<hbm>> -> memref<4x128xi32, #tpu.memory_space<hbm>>
    tpu.enqueue_dma source(%dma_start3A_46 : memref<4x128xi32, #tpu.memory_space<hbm>>) target(%dma_start3A_44 : memref<4x128xi32, #tpu.memory_space<vmem>>) target_semaphore(%dma_start3A_41 : memref<!tpu.dma_semaphore, #tpu.memory_space<semaphore_mem>>)
    %mul3A_47 = arith.constant 8 : i32
    %mul3A_48 = arith.muli %select_n3A_30, %mul3A_47 : i32
    %add3A_49 = arith.constant 4 : i32
    %add3A_50 = arith.addi %mul3A_48, %add3A_49 : i32
    %dma_start3A_51 = arith.constant 1 : i32
    %dma_start3A_52 = arith.constant 4 : i32
    %dma_start3A_53 = arith.constant 0 : i32
    %dma_start3A_54 = tpu.memref_slice %arg5[%dma_start3A_52, %dma_start3A_53] : memref<8x128xi32, #tpu.memory_space<vmem>> -> memref<4x128xi32, #tpu.memory_space<vmem>>
    %dma_start3A_55 = arith.constant 0 : i32
    %dma_start3A_56 = tpu.memref_slice %arg3[%add3A_50, %dma_start3A_55] : memref<32x128xi32, #tpu.memory_space<hbm>> -> memref<4x128xi32, #tpu.memory_space<hbm>>
    %dma_start3A_57 = tpu.memref_slice %arg7[%dma_start3A_51] : memref<2x!tpu.dma_semaphore, #tpu.memory_space<semaphore_mem>> -> memref<1x!tpu.dma_semaphore, #tpu.memory_space<semaphore_mem>>
    %dma_start3A_58 = tpu.memref_squeeze %dma_start3A_57 : memref<1x!tpu.dma_semaphore, #tpu.memory_space<semaphore_mem>> -> memref<!tpu.dma_semaphore, #tpu.memory_space<semaphore_mem>>
    %dma_start3A_59 = arith.constant 4 : i32
    %dma_start3A_60 = arith.constant 0 : i32
    %dma_start3A_61 = tpu.memref_slice %arg5[%dma_start3A_59, %dma_start3A_60] : memref<8x128xi32, #tpu.memory_space<vmem>> -> memref<4x128xi32, #tpu.memory_space<vmem>>
    %dma_start3A_62 = arith.constant 0 : i32
    %dma_start3A_63 = tpu.memref_slice %arg3[%add3A_50, %dma_start3A_62] : memref<32x128xi32, #tpu.memory_space<hbm>> -> memref<4x128xi32, #tpu.memory_space<hbm>>
    tpu.enqueue_dma source(%dma_start3A_63 : memref<4x128xi32, #tpu.memory_space<hbm>>) target(%dma_start3A_61 : memref<4x128xi32, #tpu.memory_space<vmem>>) target_semaphore(%dma_start3A_58 : memref<!tpu.dma_semaphore, #tpu.memory_space<semaphore_mem>>)
    %dma_wait3A = arith.constant 0 : i32
    %dma_wait3A_64 = arith.constant 0 : i32
    %dma_wait3A_65 = arith.constant 0 : i32
    %dma_wait3A_66 = tpu.memref_slice %arg5[%dma_wait3A_64, %dma_wait3A_65] : memref<8x128xi32, #tpu.memory_space<vmem>> -> memref<4x128xi32, #tpu.memory_space<vmem>>
    %dma_wait3A_67 = arith.constant 0 : i32
    %dma_wait3A_68 = tpu.memref_slice %arg3[%add3A_34, %dma_wait3A_67] : memref<32x128xi32, #tpu.memory_space<hbm>> -> memref<4x128xi32, #tpu.memory_space<hbm>>
    %dma_wait3A_69 = tpu.memref_slice %arg7[%dma_wait3A] : memref<2x!tpu.dma_semaphore, #tpu.memory_space<semaphore_mem>> -> memref<1x!tpu.dma_semaphore, #tpu.memory_space<semaphore_mem>>
    %dma_wait3A_70 = tpu.memref_squeeze %dma_wait3A_69 : memref<1x!tpu.dma_semaphore, #tpu.memory_space<semaphore_mem>> -> memref<!tpu.dma_semaphore, #tpu.memory_space<semaphore_mem>>
    %dma_wait3A_71 = arith.constant 0 : i32
    %dma_wait3A_72 = arith.constant 0 : i32
    %dma_wait3A_73 = tpu.memref_slice %arg5[%dma_wait3A_71, %dma_wait3A_72] : memref<8x128xi32, #tpu.memory_space<vmem>> -> memref<4x128xi32, #tpu.memory_space<vmem>>
    %dma_wait3A_74 = arith.constant 0 : i32
    %dma_wait3A_75 = tpu.memref_slice %arg3[%add3A_34, %dma_wait3A_74] : memref<32x128xi32, #tpu.memory_space<hbm>> -> memref<4x128xi32, #tpu.memory_space<hbm>>
    tpu.wait_dma2 semaphore(%dma_wait3A_70 : memref<!tpu.dma_semaphore, #tpu.memory_space<semaphore_mem>>) src(%dma_wait3A_75 : memref<4x128xi32, #tpu.memory_space<hbm>>) dst(%dma_wait3A_73 : memref<4x128xi32, #tpu.memory_space<vmem>>)
    %mul3A_76 = arith.constant 8 : i32
    %mul3A_77 = arith.muli %select_n3A_30, %mul3A_76 : i32
    %add3A_78 = arith.constant 0 : i32
    %add3A_79 = arith.addi %mul3A_77, %add3A_78 : i32
    %mul3A_80 = arith.constant 8 : i32
    %mul3A_81 = arith.muli %add3A_79, %mul3A_80 : i32
    %add3A_82 = arith.addi %mul3A_81, %select_n3A : i32
    %mul3A_83 = arith.constant 16384 : i32
    %mul3A_84 = arith.muli %add3A_82, %mul3A_83 : i32
    %dma_start3A_85 = arith.constant 0 : i32
    %dma_start3A_86 = arith.constant 0 : i32
    %dma_start3A_87 = arith.constant 0 : i32
    %dma_start3A_88 = arith.constant 0 : i32
    %dma_start3A_89 = tpu.memref_slice %arg6[%dma_start3A_86, %dma_start3A_88] : memref<8x128xf32, #tpu.memory_space<vmem>> -> memref<1x128xf32, #tpu.memory_space<vmem>>
    %dma_start3A_90 = tpu.memref_squeeze %dma_start3A_89 : memref<1x128xf32, #tpu.memory_space<vmem>> -> memref<128xf32, #tpu.memory_space<vmem>>
    %dma_start3A_91 = arith.constant 0 : i32
    %dma_start3A_92 = tpu.memref_slice %arg5[%dma_start3A_85, %dma_start3A_91] : memref<8x128xi32, #tpu.memory_space<vmem>> -> memref<1x128xi32, #tpu.memory_space<vmem>>
    %dma_start3A_93 = tpu.memref_squeeze %dma_start3A_92 : memref<1x128xi32, #tpu.memory_space<vmem>> -> memref<128xi32, #tpu.memory_space<vmem>>
    %dma_start3A_94 = tpu.memref_slice %arg2[%mul3A_84] : memref<4194304xf32, #tpu.memory_space<hbm>> -> memref<16384xf32, #tpu.memory_space<hbm>>
    %dma_start3A_95 = arith.constant 0 : i32
    %dma_start3A_96 = tpu.memref_slice %dma_start3A_94[%dma_start3A_95] : memref<16384xf32, #tpu.memory_space<hbm>> -> memref<16384xf32, #tpu.memory_space<hbm>>
    %dma_start3A_97 = tpu.memref_slice %arg8[%dma_start3A_87] : memref<8x!tpu.dma_semaphore, #tpu.memory_space<semaphore_mem>> -> memref<1x!tpu.dma_semaphore, #tpu.memory_space<semaphore_mem>>
    %dma_start3A_98 = tpu.memref_squeeze %dma_start3A_97 : memref<1x!tpu.dma_semaphore, #tpu.memory_space<semaphore_mem>> -> memref<!tpu.dma_semaphore, #tpu.memory_space<semaphore_mem>>
    tpu.enqueue_indirect_dma source(%dma_start3A_96 : memref<16384xf32, #tpu.memory_space<hbm>>) target(%dma_start3A_90 : memref<128xf32, #tpu.memory_space<vmem>>) offsets(%dma_start3A_93 : memref<128xi32, #tpu.memory_space<vmem>>) semaphore(%dma_start3A_98 : memref<!tpu.dma_semaphore, #tpu.memory_space<semaphore_mem>>)
    %mul3A_99 = arith.constant 8 : i32
    %mul3A_100 = arith.muli %select_n3A_30, %mul3A_99 : i32
    %add3A_101 = arith.constant 1 : i32
    %add3A_102 = arith.addi %mul3A_100, %add3A_101 : i32
    %mul3A_103 = arith.constant 8 : i32
    %mul3A_104 = arith.muli %add3A_102, %mul3A_103 : i32
    %add3A_105 = arith.addi %mul3A_104, %select_n3A : i32
    %mul3A_106 = arith.constant 16384 : i32
    %mul3A_107 = arith.muli %add3A_105, %mul3A_106 : i32
    %dma_start3A_108 = arith.constant 1 : i32
    %dma_start3A_109 = arith.constant 1 : i32
    %dma_start3A_110 = arith.constant 1 : i32
    %dma_start3A_111 = arith.constant 0 : i32
    %dma_start3A_112 = tpu.memref_slice %arg6[%dma_start3A_109, %dma_start3A_111] : memref<8x128xf32, #tpu.memory_space<vmem>> -> memref<1x128xf32, #tpu.memory_space<vmem>>
    %dma_start3A_113 = tpu.memref_squeeze %dma_start3A_112 : memref<1x128xf32, #tpu.memory_space<vmem>> -> memref<128xf32, #tpu.memory_space<vmem>>
    %dma_start3A_114 = arith.constant 0 : i32
    %dma_start3A_115 = tpu.memref_slice %arg5[%dma_start3A_108, %dma_start3A_114] : memref<8x128xi32, #tpu.memory_space<vmem>> -> memref<1x128xi32, #tpu.memory_space<vmem>>
    %dma_start3A_116 = tpu.memref_squeeze %dma_start3A_115 : memref<1x128xi32, #tpu.memory_space<vmem>> -> memref<128xi32, #tpu.memory_space<vmem>>
    %dma_start3A_117 = tpu.memref_slice %arg2[%mul3A_107] : memref<4194304xf32, #tpu.memory_space<hbm>> -> memref<16384xf32, #tpu.memory_space<hbm>>
    %dma_start3A_118 = arith.constant 0 : i32
    %dma_start3A_119 = tpu.memref_slice %dma_start3A_117[%dma_start3A_118] : memref<16384xf32, #tpu.memory_space<hbm>> -> memref<16384xf32, #tpu.memory_space<hbm>>
    %dma_start3A_120 = tpu.memref_slice %arg8[%dma_start3A_110] : memref<8x!tpu.dma_semaphore, #tpu.memory_space<semaphore_mem>> -> memref<1x!tpu.dma_semaphore, #tpu.memory_space<semaphore_mem>>
    %dma_start3A_121 = tpu.memref_squeeze %dma_start3A_120 : memref<1x!tpu.dma_semaphore, #tpu.memory_space<semaphore_mem>> -> memref<!tpu.dma_semaphore, #tpu.memory_space<semaphore_mem>>
    tpu.enqueue_indirect_dma source(%dma_start3A_119 : memref<16384xf32, #tpu.memory_space<hbm>>) target(%dma_start3A_113 : memref<128xf32, #tpu.memory_space<vmem>>) offsets(%dma_start3A_116 : memref<128xi32, #tpu.memory_space<vmem>>) semaphore(%dma_start3A_121 : memref<!tpu.dma_semaphore, #tpu.memory_space<semaphore_mem>>)
    %mul3A_122 = arith.constant 8 : i32
    %mul3A_123 = arith.muli %select_n3A_30, %mul3A_122 : i32
    %add3A_124 = arith.constant 2 : i32
    %add3A_125 = arith.addi %mul3A_123, %add3A_124 : i32
    %mul3A_126 = arith.constant 8 : i32
    %mul3A_127 = arith.muli %add3A_125, %mul3A_126 : i32
    %add3A_128 = arith.addi %mul3A_127, %select_n3A : i32
    %mul3A_129 = arith.constant 16384 : i32
    %mul3A_130 = arith.muli %add3A_128, %mul3A_129 : i32
    %dma_start3A_131 = arith.constant 2 : i32
    %dma_start3A_132 = arith.constant 2 : i32
    %dma_start3A_133 = arith.constant 2 : i32
    %dma_start3A_134 = arith.constant 0 : i32
    %dma_start3A_135 = tpu.memref_slice %arg6[%dma_start3A_132, %dma_start3A_134] : memref<8x128xf32, #tpu.memory_space<vmem>> -> memref<1x128xf32, #tpu.memory_space<vmem>>
    %dma_start3A_136 = tpu.memref_squeeze %dma_start3A_135 : memref<1x128xf32, #tpu.memory_space<vmem>> -> memref<128xf32, #tpu.memory_space<vmem>>
    %dma_start3A_137 = arith.constant 0 : i32
    %dma_start3A_138 = tpu.memref_slice %arg5[%dma_start3A_131, %dma_start3A_137] : memref<8x128xi32, #tpu.memory_space<vmem>> -> memref<1x128xi32, #tpu.memory_space<vmem>>
    %dma_start3A_139 = tpu.memref_squeeze %dma_start3A_138 : memref<1x128xi32, #tpu.memory_space<vmem>> -> memref<128xi32, #tpu.memory_space<vmem>>
    %dma_start3A_140 = tpu.memref_slice %arg2[%mul3A_130] : memref<4194304xf32, #tpu.memory_space<hbm>> -> memref<16384xf32, #tpu.memory_space<hbm>>
    %dma_start3A_141 = arith.constant 0 : i32
    %dma_start3A_142 = tpu.memref_slice %dma_start3A_140[%dma_start3A_141] : memref<16384xf32, #tpu.memory_space<hbm>> -> memref<16384xf32, #tpu.memory_space<hbm>>
    %dma_start3A_143 = tpu.memref_slice %arg8[%dma_start3A_133] : memref<8x!tpu.dma_semaphore, #tpu.memory_space<semaphore_mem>> -> memref<1x!tpu.dma_semaphore, #tpu.memory_space<semaphore_mem>>
    %dma_start3A_144 = tpu.memref_squeeze %dma_start3A_143 : memref<1x!tpu.dma_semaphore, #tpu.memory_space<semaphore_mem>> -> memref<!tpu.dma_semaphore, #tpu.memory_space<semaphore_mem>>
    tpu.enqueue_indirect_dma source(%dma_start3A_142 : memref<16384xf32, #tpu.memory_space<hbm>>) target(%dma_start3A_136 : memref<128xf32, #tpu.memory_space<vmem>>) offsets(%dma_start3A_139 : memref<128xi32, #tpu.memory_space<vmem>>) semaphore(%dma_start3A_144 : memref<!tpu.dma_semaphore, #tpu.memory_space<semaphore_mem>>)
    %mul3A_145 = arith.constant 8 : i32
    %mul3A_146 = arith.muli %select_n3A_30, %mul3A_145 : i32
    %add3A_147 = arith.constant 3 : i32
    %add3A_148 = arith.addi %mul3A_146, %add3A_147 : i32
    %mul3A_149 = arith.constant 8 : i32
    %mul3A_150 = arith.muli %add3A_148, %mul3A_149 : i32
    %add3A_151 = arith.addi %mul3A_150, %select_n3A : i32
    %mul3A_152 = arith.constant 16384 : i32
    %mul3A_153 = arith.muli %add3A_151, %mul3A_152 : i32
    %dma_start3A_154 = arith.constant 3 : i32
    %dma_start3A_155 = arith.constant 3 : i32
    %dma_start3A_156 = arith.constant 3 : i32
    %dma_start3A_157 = arith.constant 0 : i32
    %dma_start3A_158 = tpu.memref_slice %arg6[%dma_start3A_155, %dma_start3A_157] : memref<8x128xf32, #tpu.memory_space<vmem>> -> memref<1x128xf32, #tpu.memory_space<vmem>>
    %dma_start3A_159 = tpu.memref_squeeze %dma_start3A_158 : memref<1x128xf32, #tpu.memory_space<vmem>> -> memref<128xf32, #tpu.memory_space<vmem>>
    %dma_start3A_160 = arith.constant 0 : i32
    %dma_start3A_161 = tpu.memref_slice %arg5[%dma_start3A_154, %dma_start3A_160] : memref<8x128xi32, #tpu.memory_space<vmem>> -> memref<1x128xi32, #tpu.memory_space<vmem>>
    %dma_start3A_162 = tpu.memref_squeeze %dma_start3A_161 : memref<1x128xi32, #tpu.memory_space<vmem>> -> memref<128xi32, #tpu.memory_space<vmem>>
    %dma_start3A_163 = tpu.memref_slice %arg2[%mul3A_153] : memref<4194304xf32, #tpu.memory_space<hbm>> -> memref<16384xf32, #tpu.memory_space<hbm>>
    %dma_start3A_164 = arith.constant 0 : i32
    %dma_start3A_165 = tpu.memref_slice %dma_start3A_163[%dma_start3A_164] : memref<16384xf32, #tpu.memory_space<hbm>> -> memref<16384xf32, #tpu.memory_space<hbm>>
    %dma_start3A_166 = tpu.memref_slice %arg8[%dma_start3A_156] : memref<8x!tpu.dma_semaphore, #tpu.memory_space<semaphore_mem>> -> memref<1x!tpu.dma_semaphore, #tpu.memory_space<semaphore_mem>>
    %dma_start3A_167 = tpu.memref_squeeze %dma_start3A_166 : memref<1x!tpu.dma_semaphore, #tpu.memory_space<semaphore_mem>> -> memref<!tpu.dma_semaphore, #tpu.memory_space<semaphore_mem>>
    tpu.enqueue_indirect_dma source(%dma_start3A_165 : memref<16384xf32, #tpu.memory_space<hbm>>) target(%dma_start3A_159 : memref<128xf32, #tpu.memory_space<vmem>>) offsets(%dma_start3A_162 : memref<128xi32, #tpu.memory_space<vmem>>) semaphore(%dma_start3A_167 : memref<!tpu.dma_semaphore, #tpu.memory_space<semaphore_mem>>)
    %dma_wait3A_168 = arith.constant 1 : i32
    %dma_wait3A_169 = arith.constant 4 : i32
    %dma_wait3A_170 = arith.constant 0 : i32
    %dma_wait3A_171 = tpu.memref_slice %arg5[%dma_wait3A_169, %dma_wait3A_170] : memref<8x128xi32, #tpu.memory_space<vmem>> -> memref<4x128xi32, #tpu.memory_space<vmem>>
    %dma_wait3A_172 = arith.constant 0 : i32
    %dma_wait3A_173 = tpu.memref_slice %arg3[%add3A_50, %dma_wait3A_172] : memref<32x128xi32, #tpu.memory_space<hbm>> -> memref<4x128xi32, #tpu.memory_space<hbm>>
    %dma_wait3A_174 = tpu.memref_slice %arg7[%dma_wait3A_168] : memref<2x!tpu.dma_semaphore, #tpu.memory_space<semaphore_mem>> -> memref<1x!tpu.dma_semaphore, #tpu.memory_space<semaphore_mem>>
    %dma_wait3A_175 = tpu.memref_squeeze %dma_wait3A_174 : memref<1x!tpu.dma_semaphore, #tpu.memory_space<semaphore_mem>> -> memref<!tpu.dma_semaphore, #tpu.memory_space<semaphore_mem>>
    %dma_wait3A_176 = arith.constant 4 : i32
    %dma_wait3A_177 = arith.constant 0 : i32
    %dma_wait3A_178 = tpu.memref_slice %arg5[%dma_wait3A_176, %dma_wait3A_177] : memref<8x128xi32, #tpu.memory_space<vmem>> -> memref<4x128xi32, #tpu.memory_space<vmem>>
    %dma_wait3A_179 = arith.constant 0 : i32
    %dma_wait3A_180 = tpu.memref_slice %arg3[%add3A_50, %dma_wait3A_179] : memref<32x128xi32, #tpu.memory_space<hbm>> -> memref<4x128xi32, #tpu.memory_space<hbm>>
    tpu.wait_dma2 semaphore(%dma_wait3A_175 : memref<!tpu.dma_semaphore, #tpu.memory_space<semaphore_mem>>) src(%dma_wait3A_180 : memref<4x128xi32, #tpu.memory_space<hbm>>) dst(%dma_wait3A_178 : memref<4x128xi32, #tpu.memory_space<vmem>>)
    %mul3A_181 = arith.constant 8 : i32
    %mul3A_182 = arith.muli %select_n3A_30, %mul3A_181 : i32
    %add3A_183 = arith.constant 4 : i32
    %add3A_184 = arith.addi %mul3A_182, %add3A_183 : i32
    %mul3A_185 = arith.constant 8 : i32
    %mul3A_186 = arith.muli %add3A_184, %mul3A_185 : i32
    %add3A_187 = arith.addi %mul3A_186, %select_n3A : i32
    %mul3A_188 = arith.constant 16384 : i32
    %mul3A_189 = arith.muli %add3A_187, %mul3A_188 : i32
    %dma_start3A_190 = arith.constant 4 : i32
    %dma_start3A_191 = arith.constant 4 : i32
    %dma_start3A_192 = arith.constant 4 : i32
    %dma_start3A_193 = arith.constant 0 : i32
    %dma_start3A_194 = tpu.memref_slice %arg6[%dma_start3A_191, %dma_start3A_193] : memref<8x128xf32, #tpu.memory_space<vmem>> -> memref<1x128xf32, #tpu.memory_space<vmem>>
    %dma_start3A_195 = tpu.memref_squeeze %dma_start3A_194 : memref<1x128xf32, #tpu.memory_space<vmem>> -> memref<128xf32, #tpu.memory_space<vmem>>
    %dma_start3A_196 = arith.constant 0 : i32
    %dma_start3A_197 = tpu.memref_slice %arg5[%dma_start3A_190, %dma_start3A_196] : memref<8x128xi32, #tpu.memory_space<vmem>> -> memref<1x128xi32, #tpu.memory_space<vmem>>
    %dma_start3A_198 = tpu.memref_squeeze %dma_start3A_197 : memref<1x128xi32, #tpu.memory_space<vmem>> -> memref<128xi32, #tpu.memory_space<vmem>>
    %dma_start3A_199 = tpu.memref_slice %arg2[%mul3A_189] : memref<4194304xf32, #tpu.memory_space<hbm>> -> memref<16384xf32, #tpu.memory_space<hbm>>
    %dma_start3A_200 = arith.constant 0 : i32
    %dma_start3A_201 = tpu.memref_slice %dma_start3A_199[%dma_start3A_200] : memref<16384xf32, #tpu.memory_space<hbm>> -> memref<16384xf32, #tpu.memory_space<hbm>>
    %dma_start3A_202 = tpu.memref_slice %arg8[%dma_start3A_192] : memref<8x!tpu.dma_semaphore, #tpu.memory_space<semaphore_mem>> -> memref<1x!tpu.dma_semaphore, #tpu.memory_space<semaphore_mem>>
    %dma_start3A_203 = tpu.memref_squeeze %dma_start3A_202 : memref<1x!tpu.dma_semaphore, #tpu.memory_space<semaphore_mem>> -> memref<!tpu.dma_semaphore, #tpu.memory_space<semaphore_mem>>
    tpu.enqueue_indirect_dma source(%dma_start3A_201 : memref<16384xf32, #tpu.memory_space<hbm>>) target(%dma_start3A_195 : memref<128xf32, #tpu.memory_space<vmem>>) offsets(%dma_start3A_198 : memref<128xi32, #tpu.memory_space<vmem>>) semaphore(%dma_start3A_203 : memref<!tpu.dma_semaphore, #tpu.memory_space<semaphore_mem>>)
    %mul3A_204 = arith.constant 8 : i32
    %mul3A_205 = arith.muli %select_n3A_30, %mul3A_204 : i32
    %add3A_206 = arith.constant 5 : i32
    %add3A_207 = arith.addi %mul3A_205, %add3A_206 : i32
    %mul3A_208 = arith.constant 8 : i32
    %mul3A_209 = arith.muli %add3A_207, %mul3A_208 : i32
    %add3A_210 = arith.addi %mul3A_209, %select_n3A : i32
    %mul3A_211 = arith.constant 16384 : i32
    %mul3A_212 = arith.muli %add3A_210, %mul3A_211 : i32
    %dma_start3A_213 = arith.constant 5 : i32
    %dma_start3A_214 = arith.constant 5 : i32
    %dma_start3A_215 = arith.constant 5 : i32
    %dma_start3A_216 = arith.constant 0 : i32
    %dma_start3A_217 = tpu.memref_slice %arg6[%dma_start3A_214, %dma_start3A_216] : memref<8x128xf32, #tpu.memory_space<vmem>> -> memref<1x128xf32, #tpu.memory_space<vmem>>
    %dma_start3A_218 = tpu.memref_squeeze %dma_start3A_217 : memref<1x128xf32, #tpu.memory_space<vmem>> -> memref<128xf32, #tpu.memory_space<vmem>>
    %dma_start3A_219 = arith.constant 0 : i32
    %dma_start3A_220 = tpu.memref_slice %arg5[%dma_start3A_213, %dma_start3A_219] : memref<8x128xi32, #tpu.memory_space<vmem>> -> memref<1x128xi32, #tpu.memory_space<vmem>>
    %dma_start3A_221 = tpu.memref_squeeze %dma_start3A_220 : memref<1x128xi32, #tpu.memory_space<vmem>> -> memref<128xi32, #tpu.memory_space<vmem>>
    %dma_start3A_222 = tpu.memref_slice %arg2[%mul3A_212] : memref<4194304xf32, #tpu.memory_space<hbm>> -> memref<16384xf32, #tpu.memory_space<hbm>>
    %dma_start3A_223 = arith.constant 0 : i32
    %dma_start3A_224 = tpu.memref_slice %dma_start3A_222[%dma_start3A_223] : memref<16384xf32, #tpu.memory_space<hbm>> -> memref<16384xf32, #tpu.memory_space<hbm>>
    %dma_start3A_225 = tpu.memref_slice %arg8[%dma_start3A_215] : memref<8x!tpu.dma_semaphore, #tpu.memory_space<semaphore_mem>> -> memref<1x!tpu.dma_semaphore, #tpu.memory_space<semaphore_mem>>
    %dma_start3A_226 = tpu.memref_squeeze %dma_start3A_225 : memref<1x!tpu.dma_semaphore, #tpu.memory_space<semaphore_mem>> -> memref<!tpu.dma_semaphore, #tpu.memory_space<semaphore_mem>>
    tpu.enqueue_indirect_dma source(%dma_start3A_224 : memref<16384xf32, #tpu.memory_space<hbm>>) target(%dma_start3A_218 : memref<128xf32, #tpu.memory_space<vmem>>) offsets(%dma_start3A_221 : memref<128xi32, #tpu.memory_space<vmem>>) semaphore(%dma_start3A_226 : memref<!tpu.dma_semaphore, #tpu.memory_space<semaphore_mem>>)
    %mul3A_227 = arith.constant 8 : i32
    %mul3A_228 = arith.muli %select_n3A_30, %mul3A_227 : i32
    %add3A_229 = arith.constant 6 : i32
    %add3A_230 = arith.addi %mul3A_228, %add3A_229 : i32
    %mul3A_231 = arith.constant 8 : i32
    %mul3A_232 = arith.muli %add3A_230, %mul3A_231 : i32
    %add3A_233 = arith.addi %mul3A_232, %select_n3A : i32
    %mul3A_234 = arith.constant 16384 : i32
    %mul3A_235 = arith.muli %add3A_233, %mul3A_234 : i32
    %dma_start3A_236 = arith.constant 6 : i32
    %dma_start3A_237 = arith.constant 6 : i32
    %dma_start3A_238 = arith.constant 6 : i32
    %dma_start3A_239 = arith.constant 0 : i32
    %dma_start3A_240 = tpu.memref_slice %arg6[%dma_start3A_237, %dma_start3A_239] : memref<8x128xf32, #tpu.memory_space<vmem>> -> memref<1x128xf32, #tpu.memory_space<vmem>>
    %dma_start3A_241 = tpu.memref_squeeze %dma_start3A_240 : memref<1x128xf32, #tpu.memory_space<vmem>> -> memref<128xf32, #tpu.memory_space<vmem>>
    %dma_start3A_242 = arith.constant 0 : i32
    %dma_start3A_243 = tpu.memref_slice %arg5[%dma_start3A_236, %dma_start3A_242] : memref<8x128xi32, #tpu.memory_space<vmem>> -> memref<1x128xi32, #tpu.memory_space<vmem>>
    %dma_start3A_244 = tpu.memref_squeeze %dma_start3A_243 : memref<1x128xi32, #tpu.memory_space<vmem>> -> memref<128xi32, #tpu.memory_space<vmem>>
    %dma_start3A_245 = tpu.memref_slice %arg2[%mul3A_235] : memref<4194304xf32, #tpu.memory_space<hbm>> -> memref<16384xf32, #tpu.memory_space<hbm>>
    %dma_start3A_246 = arith.constant 0 : i32
    %dma_start3A_247 = tpu.memref_slice %dma_start3A_245[%dma_start3A_246] : memref<16384xf32, #tpu.memory_space<hbm>> -> memref<16384xf32, #tpu.memory_space<hbm>>
    %dma_start3A_248 = tpu.memref_slice %arg8[%dma_start3A_238] : memref<8x!tpu.dma_semaphore, #tpu.memory_space<semaphore_mem>> -> memref<1x!tpu.dma_semaphore, #tpu.memory_space<semaphore_mem>>
    %dma_start3A_249 = tpu.memref_squeeze %dma_start3A_248 : memref<1x!tpu.dma_semaphore, #tpu.memory_space<semaphore_mem>> -> memref<!tpu.dma_semaphore, #tpu.memory_space<semaphore_mem>>
    tpu.enqueue_indirect_dma source(%dma_start3A_247 : memref<16384xf32, #tpu.memory_space<hbm>>) target(%dma_start3A_241 : memref<128xf32, #tpu.memory_space<vmem>>) offsets(%dma_start3A_244 : memref<128xi32, #tpu.memory_space<vmem>>) semaphore(%dma_start3A_249 : memref<!tpu.dma_semaphore, #tpu.memory_space<semaphore_mem>>)
    %mul3A_250 = arith.constant 8 : i32
    %mul3A_251 = arith.muli %select_n3A_30, %mul3A_250 : i32
    %add3A_252 = arith.constant 7 : i32
    %add3A_253 = arith.addi %mul3A_251, %add3A_252 : i32
    %mul3A_254 = arith.constant 8 : i32
    %mul3A_255 = arith.muli %add3A_253, %mul3A_254 : i32
    %add3A_256 = arith.addi %mul3A_255, %select_n3A : i32
    %mul3A_257 = arith.constant 16384 : i32
    %mul3A_258 = arith.muli %add3A_256, %mul3A_257 : i32
    %dma_start3A_259 = arith.constant 7 : i32
    %dma_start3A_260 = arith.constant 7 : i32
    %dma_start3A_261 = arith.constant 7 : i32
    %dma_start3A_262 = arith.constant 0 : i32
    %dma_start3A_263 = tpu.memref_slice %arg6[%dma_start3A_260, %dma_start3A_262] : memref<8x128xf32, #tpu.memory_space<vmem>> -> memref<1x128xf32, #tpu.memory_space<vmem>>
    %dma_start3A_264 = tpu.memref_squeeze %dma_start3A_263 : memref<1x128xf32, #tpu.memory_space<vmem>> -> memref<128xf32, #tpu.memory_space<vmem>>
    %dma_start3A_265 = arith.constant 0 : i32
    %dma_start3A_266 = tpu.memref_slice %arg5[%dma_start3A_259, %dma_start3A_265] : memref<8x128xi32, #tpu.memory_space<vmem>> -> memref<1x128xi32, #tpu.memory_space<vmem>>
    %dma_start3A_267 = tpu.memref_squeeze %dma_start3A_266 : memref<1x128xi32, #tpu.memory_space<vmem>> -> memref<128xi32, #tpu.memory_space<vmem>>
    %dma_start3A_268 = tpu.memref_slice %arg2[%mul3A_258] : memref<4194304xf32, #tpu.memory_space<hbm>> -> memref<16384xf32, #tpu.memory_space<hbm>>
    %dma_start3A_269 = arith.constant 0 : i32
    %dma_start3A_270 = tpu.memref_slice %dma_start3A_268[%dma_start3A_269] : memref<16384xf32, #tpu.memory_space<hbm>> -> memref<16384xf32, #tpu.memory_space<hbm>>
    %dma_start3A_271 = tpu.memref_slice %arg8[%dma_start3A_261] : memref<8x!tpu.dma_semaphore, #tpu.memory_space<semaphore_mem>> -> memref<1x!tpu.dma_semaphore, #tpu.memory_space<semaphore_mem>>
    %dma_start3A_272 = tpu.memref_squeeze %dma_start3A_271 : memref<1x!tpu.dma_semaphore, #tpu.memory_space<semaphore_mem>> -> memref<!tpu.dma_semaphore, #tpu.memory_space<semaphore_mem>>
    tpu.enqueue_indirect_dma source(%dma_start3A_270 : memref<16384xf32, #tpu.memory_space<hbm>>) target(%dma_start3A_264 : memref<128xf32, #tpu.memory_space<vmem>>) offsets(%dma_start3A_267 : memref<128xi32, #tpu.memory_space<vmem>>) semaphore(%dma_start3A_272 : memref<!tpu.dma_semaphore, #tpu.memory_space<semaphore_mem>>)
    %dma_wait3A_273 = arith.constant 0 : i32
    %dma_wait3A_274 = arith.constant 0 : i32
    %dma_wait3A_275 = arith.constant 0 : i32
    %dma_wait3A_276 = arith.constant 0 : i32
    %dma_wait3A_277 = tpu.memref_slice %arg6[%dma_wait3A_274, %dma_wait3A_276] : memref<8x128xf32, #tpu.memory_space<vmem>> -> memref<1x128xf32, #tpu.memory_space<vmem>>
    %dma_wait3A_278 = tpu.memref_squeeze %dma_wait3A_277 : memref<1x128xf32, #tpu.memory_space<vmem>> -> memref<128xf32, #tpu.memory_space<vmem>>
    %dma_wait3A_279 = arith.constant 0 : i32
    %dma_wait3A_280 = tpu.memref_slice %arg5[%dma_wait3A_273, %dma_wait3A_279] : memref<8x128xi32, #tpu.memory_space<vmem>> -> memref<1x128xi32, #tpu.memory_space<vmem>>
    %dma_wait3A_281 = tpu.memref_squeeze %dma_wait3A_280 : memref<1x128xi32, #tpu.memory_space<vmem>> -> memref<128xi32, #tpu.memory_space<vmem>>
    %dma_wait3A_282 = tpu.memref_slice %arg2[%mul3A_84] : memref<4194304xf32, #tpu.memory_space<hbm>> -> memref<16384xf32, #tpu.memory_space<hbm>>
    %dma_wait3A_283 = arith.constant 0 : i32
    %dma_wait3A_284 = tpu.memref_slice %dma_wait3A_282[%dma_wait3A_283] : memref<16384xf32, #tpu.memory_space<hbm>> -> memref<16384xf32, #tpu.memory_space<hbm>>
    %dma_wait3A_285 = tpu.memref_slice %arg8[%dma_wait3A_275] : memref<8x!tpu.dma_semaphore, #tpu.memory_space<semaphore_mem>> -> memref<1x!tpu.dma_semaphore, #tpu.memory_space<semaphore_mem>>
    %dma_wait3A_286 = tpu.memref_squeeze %dma_wait3A_285 : memref<1x!tpu.dma_semaphore, #tpu.memory_space<semaphore_mem>> -> memref<!tpu.dma_semaphore, #tpu.memory_space<semaphore_mem>>
    tpu.wait_indirect_dma semaphore(%dma_wait3A_286 : memref<!tpu.dma_semaphore, #tpu.memory_space<semaphore_mem>>) src(%dma_wait3A_284 : memref<16384xf32, #tpu.memory_space<hbm>>) dst(%dma_wait3A_278 : memref<128xf32, #tpu.memory_space<vmem>>)
    %mul3A_287 = arith.constant 32 : i32
    %mul3A_288 = arith.muli %select_n3A, %mul3A_287 : i32
    %mul3A_289 = arith.constant 8 : i32
    %mul3A_290 = arith.muli %select_n3A_30, %mul3A_289 : i32
    %add3A_291 = arith.addi %mul3A_288, %mul3A_290 : i32
    %add3A_292 = arith.constant 0 : i32
    %add3A_293 = arith.addi %add3A_291, %add3A_292 : i32
    %dma_start3A_294 = arith.constant 0 : i32
    %dma_start3A_295 = arith.constant 0 : i32
    %dma_start3A_296 = arith.constant 0 : i32
    %dma_start3A_297 = tpu.memref_slice %arg6[%dma_start3A_294, %dma_start3A_296] : memref<8x128xf32, #tpu.memory_space<vmem>> -> memref<1x128xf32, #tpu.memory_space<vmem>>
    %dma_start3A_298 = tpu.memref_squeeze %dma_start3A_297 : memref<1x128xf32, #tpu.memory_space<vmem>> -> memref<128xf32, #tpu.memory_space<vmem>>
    %dma_start3A_299 = arith.constant 0 : i32
    %dma_start3A_300 = tpu.memref_slice %arg4[%add3A_293, %dma_start3A_299] : memref<256x128xf32, #tpu.memory_space<hbm>> -> memref<1x128xf32, #tpu.memory_space<hbm>>
    %dma_start3A_301 = tpu.memref_squeeze %dma_start3A_300 : memref<1x128xf32, #tpu.memory_space<hbm>> -> memref<128xf32, #tpu.memory_space<hbm>>
    %dma_start3A_302 = tpu.memref_slice %arg9[%dma_start3A_295] : memref<8x!tpu.dma_semaphore, #tpu.memory_space<semaphore_mem>> -> memref<1x!tpu.dma_semaphore, #tpu.memory_space<semaphore_mem>>
    %dma_start3A_303 = tpu.memref_squeeze %dma_start3A_302 : memref<1x!tpu.dma_semaphore, #tpu.memory_space<semaphore_mem>> -> memref<!tpu.dma_semaphore, #tpu.memory_space<semaphore_mem>>
    %dma_start3A_304 = arith.constant 0 : i32
    %dma_start3A_305 = tpu.memref_slice %arg4[%add3A_293, %dma_start3A_304] : memref<256x128xf32, #tpu.memory_space<hbm>> -> memref<1x128xf32, #tpu.memory_space<hbm>>
    %dma_start3A_306 = tpu.memref_squeeze %dma_start3A_305 : memref<1x128xf32, #tpu.memory_space<hbm>> -> memref<128xf32, #tpu.memory_space<hbm>>
    %dma_start3A_307 = arith.constant 0 : i32
    %dma_start3A_308 = tpu.memref_slice %arg6[%dma_start3A_294, %dma_start3A_307] : memref<8x128xf32, #tpu.memory_space<vmem>> -> memref<1x128xf32, #tpu.memory_space<vmem>>
    %dma_start3A_309 = tpu.memref_squeeze %dma_start3A_308 : memref<1x128xf32, #tpu.memory_space<vmem>> -> memref<128xf32, #tpu.memory_space<vmem>>
    tpu.enqueue_dma source(%dma_start3A_309 : memref<128xf32, #tpu.memory_space<vmem>>) target(%dma_start3A_306 : memref<128xf32, #tpu.memory_space<hbm>>) target_semaphore(%dma_start3A_303 : memref<!tpu.dma_semaphore, #tpu.memory_space<semaphore_mem>>)
    %dma_wait3A_310 = arith.constant 1 : i32
    %dma_wait3A_311 = arith.constant 1 : i32
    %dma_wait3A_312 = arith.constant 1 : i32
    %dma_wait3A_313 = arith.constant 0 : i32
    %dma_wait3A_314 = tpu.memref_slice %arg6[%dma_wait3A_311, %dma_wait3A_313] : memref<8x128xf32, #tpu.memory_space<vmem>> -> memref<1x128xf32, #tpu.memory_space<vmem>>
    %dma_wait3A_315 = tpu.memref_squeeze %dma_wait3A_314 : memref<1x128xf32, #tpu.memory_space<vmem>> -> memref<128xf32, #tpu.memory_space<vmem>>
    %dma_wait3A_316 = arith.constant 0 : i32
    %dma_wait3A_317 = tpu.memref_slice %arg5[%dma_wait3A_310, %dma_wait3A_316] : memref<8x128xi32, #tpu.memory_space<vmem>> -> memref<1x128xi32, #tpu.memory_space<vmem>>
    %dma_wait3A_318 = tpu.memref_squeeze %dma_wait3A_317 : memref<1x128xi32, #tpu.memory_space<vmem>> -> memref<128xi32, #tpu.memory_space<vmem>>
    %dma_wait3A_319 = tpu.memref_slice %arg2[%mul3A_107] : memref<4194304xf32, #tpu.memory_space<hbm>> -> memref<16384xf32, #tpu.memory_space<hbm>>
    %dma_wait3A_320 = arith.constant 0 : i32
    %dma_wait3A_321 = tpu.memref_slice %dma_wait3A_319[%dma_wait3A_320] : memref<16384xf32, #tpu.memory_space<hbm>> -> memref<16384xf32, #tpu.memory_space<hbm>>
    %dma_wait3A_322 = tpu.memref_slice %arg8[%dma_wait3A_312] : memref<8x!tpu.dma_semaphore, #tpu.memory_space<semaphore_mem>> -> memref<1x!tpu.dma_semaphore, #tpu.memory_space<semaphore_mem>>
    %dma_wait3A_323 = tpu.memref_squeeze %dma_wait3A_322 : memref<1x!tpu.dma_semaphore, #tpu.memory_space<semaphore_mem>> -> memref<!tpu.dma_semaphore, #tpu.memory_space<semaphore_mem>>
    tpu.wait_indirect_dma semaphore(%dma_wait3A_323 : memref<!tpu.dma_semaphore, #tpu.memory_space<semaphore_mem>>) src(%dma_wait3A_321 : memref<16384xf32, #tpu.memory_space<hbm>>) dst(%dma_wait3A_315 : memref<128xf32, #tpu.memory_space<vmem>>)
    %mul3A_324 = arith.constant 32 : i32
    %mul3A_325 = arith.muli %select_n3A, %mul3A_324 : i32
    %mul3A_326 = arith.constant 8 : i32
    %mul3A_327 = arith.muli %select_n3A_30, %mul3A_326 : i32
    %add3A_328 = arith.addi %mul3A_325, %mul3A_327 : i32
    %add3A_329 = arith.constant 1 : i32
    %add3A_330 = arith.addi %add3A_328, %add3A_329 : i32
    %dma_start3A_331 = arith.constant 1 : i32
    %dma_start3A_332 = arith.constant 1 : i32
    %dma_start3A_333 = arith.constant 0 : i32
    %dma_start3A_334 = tpu.memref_slice %arg6[%dma_start3A_331, %dma_start3A_333] : memref<8x128xf32, #tpu.memory_space<vmem>> -> memref<1x128xf32, #tpu.memory_space<vmem>>
    %dma_start3A_335 = tpu.memref_squeeze %dma_start3A_334 : memref<1x128xf32, #tpu.memory_space<vmem>> -> memref<128xf32, #tpu.memory_space<vmem>>
    %dma_start3A_336 = arith.constant 0 : i32
    %dma_start3A_337 = tpu.memref_slice %arg4[%add3A_330, %dma_start3A_336] : memref<256x128xf32, #tpu.memory_space<hbm>> -> memref<1x128xf32, #tpu.memory_space<hbm>>
    %dma_start3A_338 = tpu.memref_squeeze %dma_start3A_337 : memref<1x128xf32, #tpu.memory_space<hbm>> -> memref<128xf32, #tpu.memory_space<hbm>>
    %dma_start3A_339 = tpu.memref_slice %arg9[%dma_start3A_332] : memref<8x!tpu.dma_semaphore, #tpu.memory_space<semaphore_mem>> -> memref<1x!tpu.dma_semaphore, #tpu.memory_space<semaphore_mem>>
    %dma_start3A_340 = tpu.memref_squeeze %dma_start3A_339 : memref<1x!tpu.dma_semaphore, #tpu.memory_space<semaphore_mem>> -> memref<!tpu.dma_semaphore, #tpu.memory_space<semaphore_mem>>
    %dma_start3A_341 = arith.constant 0 : i32
    %dma_start3A_342 = tpu.memref_slice %arg4[%add3A_330, %dma_start3A_341] : memref<256x128xf32, #tpu.memory_space<hbm>> -> memref<1x128xf32, #tpu.memory_space<hbm>>
    %dma_start3A_343 = tpu.memref_squeeze %dma_start3A_342 : memref<1x128xf32, #tpu.memory_space<hbm>> -> memref<128xf32, #tpu.memory_space<hbm>>
    %dma_start3A_344 = arith.constant 0 : i32
    %dma_start3A_345 = tpu.memref_slice %arg6[%dma_start3A_331, %dma_start3A_344] : memref<8x128xf32, #tpu.memory_space<vmem>> -> memref<1x128xf32, #tpu.memory_space<vmem>>
    %dma_start3A_346 = tpu.memref_squeeze %dma_start3A_345 : memref<1x128xf32, #tpu.memory_space<vmem>> -> memref<128xf32, #tpu.memory_space<vmem>>
    tpu.enqueue_dma source(%dma_start3A_346 : memref<128xf32, #tpu.memory_space<vmem>>) target(%dma_start3A_343 : memref<128xf32, #tpu.memory_space<hbm>>) target_semaphore(%dma_start3A_340 : memref<!tpu.dma_semaphore, #tpu.memory_space<semaphore_mem>>)
    %dma_wait3A_347 = arith.constant 2 : i32
    %dma_wait3A_348 = arith.constant 2 : i32
    %dma_wait3A_349 = arith.constant 2 : i32
    %dma_wait3A_350 = arith.constant 0 : i32
    %dma_wait3A_351 = tpu.memref_slice %arg6[%dma_wait3A_348, %dma_wait3A_350] : memref<8x128xf32, #tpu.memory_space<vmem>> -> memref<1x128xf32, #tpu.memory_space<vmem>>
    %dma_wait3A_352 = tpu.memref_squeeze %dma_wait3A_351 : memref<1x128xf32, #tpu.memory_space<vmem>> -> memref<128xf32, #tpu.memory_space<vmem>>
    %dma_wait3A_353 = arith.constant 0 : i32
    %dma_wait3A_354 = tpu.memref_slice %arg5[%dma_wait3A_347, %dma_wait3A_353] : memref<8x128xi32, #tpu.memory_space<vmem>> -> memref<1x128xi32, #tpu.memory_space<vmem>>
    %dma_wait3A_355 = tpu.memref_squeeze %dma_wait3A_354 : memref<1x128xi32, #tpu.memory_space<vmem>> -> memref<128xi32, #tpu.memory_space<vmem>>
    %dma_wait3A_356 = tpu.memref_slice %arg2[%mul3A_130] : memref<4194304xf32, #tpu.memory_space<hbm>> -> memref<16384xf32, #tpu.memory_space<hbm>>
    %dma_wait3A_357 = arith.constant 0 : i32
    %dma_wait3A_358 = tpu.memref_slice %dma_wait3A_356[%dma_wait3A_357] : memref<16384xf32, #tpu.memory_space<hbm>> -> memref<16384xf32, #tpu.memory_space<hbm>>
    %dma_wait3A_359 = tpu.memref_slice %arg8[%dma_wait3A_349] : memref<8x!tpu.dma_semaphore, #tpu.memory_space<semaphore_mem>> -> memref<1x!tpu.dma_semaphore, #tpu.memory_space<semaphore_mem>>
    %dma_wait3A_360 = tpu.memref_squeeze %dma_wait3A_359 : memref<1x!tpu.dma_semaphore, #tpu.memory_space<semaphore_mem>> -> memref<!tpu.dma_semaphore, #tpu.memory_space<semaphore_mem>>
    tpu.wait_indirect_dma semaphore(%dma_wait3A_360 : memref<!tpu.dma_semaphore, #tpu.memory_space<semaphore_mem>>) src(%dma_wait3A_358 : memref<16384xf32, #tpu.memory_space<hbm>>) dst(%dma_wait3A_352 : memref<128xf32, #tpu.memory_space<vmem>>)
    %mul3A_361 = arith.constant 32 : i32
    %mul3A_362 = arith.muli %select_n3A, %mul3A_361 : i32
    %mul3A_363 = arith.constant 8 : i32
    %mul3A_364 = arith.muli %select_n3A_30, %mul3A_363 : i32
    %add3A_365 = arith.addi %mul3A_362, %mul3A_364 : i32
    %add3A_366 = arith.constant 2 : i32
    %add3A_367 = arith.addi %add3A_365, %add3A_366 : i32
    %dma_start3A_368 = arith.constant 2 : i32
    %dma_start3A_369 = arith.constant 2 : i32
    %dma_start3A_370 = arith.constant 0 : i32
    %dma_start3A_371 = tpu.memref_slice %arg6[%dma_start3A_368, %dma_start3A_370] : memref<8x128xf32, #tpu.memory_space<vmem>> -> memref<1x128xf32, #tpu.memory_space<vmem>>
    %dma_start3A_372 = tpu.memref_squeeze %dma_start3A_371 : memref<1x128xf32, #tpu.memory_space<vmem>> -> memref<128xf32, #tpu.memory_space<vmem>>
    %dma_start3A_373 = arith.constant 0 : i32
    %dma_start3A_374 = tpu.memref_slice %arg4[%add3A_367, %dma_start3A_373] : memref<256x128xf32, #tpu.memory_space<hbm>> -> memref<1x128xf32, #tpu.memory_space<hbm>>
    %dma_start3A_375 = tpu.memref_squeeze %dma_start3A_374 : memref<1x128xf32, #tpu.memory_space<hbm>> -> memref<128xf32, #tpu.memory_space<hbm>>
    %dma_start3A_376 = tpu.memref_slice %arg9[%dma_start3A_369] : memref<8x!tpu.dma_semaphore, #tpu.memory_space<semaphore_mem>> -> memref<1x!tpu.dma_semaphore, #tpu.memory_space<semaphore_mem>>
    %dma_start3A_377 = tpu.memref_squeeze %dma_start3A_376 : memref<1x!tpu.dma_semaphore, #tpu.memory_space<semaphore_mem>> -> memref<!tpu.dma_semaphore, #tpu.memory_space<semaphore_mem>>
    %dma_start3A_378 = arith.constant 0 : i32
    %dma_start3A_379 = tpu.memref_slice %arg4[%add3A_367, %dma_start3A_378] : memref<256x128xf32, #tpu.memory_space<hbm>> -> memref<1x128xf32, #tpu.memory_space<hbm>>
    %dma_start3A_380 = tpu.memref_squeeze %dma_start3A_379 : memref<1x128xf32, #tpu.memory_space<hbm>> -> memref<128xf32, #tpu.memory_space<hbm>>
    %dma_start3A_381 = arith.constant 0 : i32
    %dma_start3A_382 = tpu.memref_slice %arg6[%dma_start3A_368, %dma_start3A_381] : memref<8x128xf32, #tpu.memory_space<vmem>> -> memref<1x128xf32, #tpu.memory_space<vmem>>
    %dma_start3A_383 = tpu.memref_squeeze %dma_start3A_382 : memref<1x128xf32, #tpu.memory_space<vmem>> -> memref<128xf32, #tpu.memory_space<vmem>>
    tpu.enqueue_dma source(%dma_start3A_383 : memref<128xf32, #tpu.memory_space<vmem>>) target(%dma_start3A_380 : memref<128xf32, #tpu.memory_space<hbm>>) target_semaphore(%dma_start3A_377 : memref<!tpu.dma_semaphore, #tpu.memory_space<semaphore_mem>>)
    %dma_wait3A_384 = arith.constant 3 : i32
    %dma_wait3A_385 = arith.constant 3 : i32
    %dma_wait3A_386 = arith.constant 3 : i32
    %dma_wait3A_387 = arith.constant 0 : i32
    %dma_wait3A_388 = tpu.memref_slice %arg6[%dma_wait3A_385, %dma_wait3A_387] : memref<8x128xf32, #tpu.memory_space<vmem>> -> memref<1x128xf32, #tpu.memory_space<vmem>>
    %dma_wait3A_389 = tpu.memref_squeeze %dma_wait3A_388 : memref<1x128xf32, #tpu.memory_space<vmem>> -> memref<128xf32, #tpu.memory_space<vmem>>
    %dma_wait3A_390 = arith.constant 0 : i32
    %dma_wait3A_391 = tpu.memref_slice %arg5[%dma_wait3A_384, %dma_wait3A_390] : memref<8x128xi32, #tpu.memory_space<vmem>> -> memref<1x128xi32, #tpu.memory_space<vmem>>
    %dma_wait3A_392 = tpu.memref_squeeze %dma_wait3A_391 : memref<1x128xi32, #tpu.memory_space<vmem>> -> memref<128xi32, #tpu.memory_space<vmem>>
    %dma_wait3A_393 = tpu.memref_slice %arg2[%mul3A_153] : memref<4194304xf32, #tpu.memory_space<hbm>> -> memref<16384xf32, #tpu.memory_space<hbm>>
    %dma_wait3A_394 = arith.constant 0 : i32
    %dma_wait3A_395 = tpu.memref_slice %dma_wait3A_393[%dma_wait3A_394] : memref<16384xf32, #tpu.memory_space<hbm>> -> memref<16384xf32, #tpu.memory_space<hbm>>
    %dma_wait3A_396 = tpu.memref_slice %arg8[%dma_wait3A_386] : memref<8x!tpu.dma_semaphore, #tpu.memory_space<semaphore_mem>> -> memref<1x!tpu.dma_semaphore, #tpu.memory_space<semaphore_mem>>
    %dma_wait3A_397 = tpu.memref_squeeze %dma_wait3A_396 : memref<1x!tpu.dma_semaphore, #tpu.memory_space<semaphore_mem>> -> memref<!tpu.dma_semaphore, #tpu.memory_space<semaphore_mem>>
    tpu.wait_indirect_dma semaphore(%dma_wait3A_397 : memref<!tpu.dma_semaphore, #tpu.memory_space<semaphore_mem>>) src(%dma_wait3A_395 : memref<16384xf32, #tpu.memory_space<hbm>>) dst(%dma_wait3A_389 : memref<128xf32, #tpu.memory_space<vmem>>)
    %mul3A_398 = arith.constant 32 : i32
    %mul3A_399 = arith.muli %select_n3A, %mul3A_398 : i32
    %mul3A_400 = arith.constant 8 : i32
    %mul3A_401 = arith.muli %select_n3A_30, %mul3A_400 : i32
    %add3A_402 = arith.addi %mul3A_399, %mul3A_401 : i32
    %add3A_403 = arith.constant 3 : i32
    %add3A_404 = arith.addi %add3A_402, %add3A_403 : i32
    %dma_start3A_405 = arith.constant 3 : i32
    %dma_start3A_406 = arith.constant 3 : i32
    %dma_start3A_407 = arith.constant 0 : i32
    %dma_start3A_408 = tpu.memref_slice %arg6[%dma_start3A_405, %dma_start3A_407] : memref<8x128xf32, #tpu.memory_space<vmem>> -> memref<1x128xf32, #tpu.memory_space<vmem>>
    %dma_start3A_409 = tpu.memref_squeeze %dma_start3A_408 : memref<1x128xf32, #tpu.memory_space<vmem>> -> memref<128xf32, #tpu.memory_space<vmem>>
    %dma_start3A_410 = arith.constant 0 : i32
    %dma_start3A_411 = tpu.memref_slice %arg4[%add3A_404, %dma_start3A_410] : memref<256x128xf32, #tpu.memory_space<hbm>> -> memref<1x128xf32, #tpu.memory_space<hbm>>
    %dma_start3A_412 = tpu.memref_squeeze %dma_start3A_411 : memref<1x128xf32, #tpu.memory_space<hbm>> -> memref<128xf32, #tpu.memory_space<hbm>>
    %dma_start3A_413 = tpu.memref_slice %arg9[%dma_start3A_406] : memref<8x!tpu.dma_semaphore, #tpu.memory_space<semaphore_mem>> -> memref<1x!tpu.dma_semaphore, #tpu.memory_space<semaphore_mem>>
    %dma_start3A_414 = tpu.memref_squeeze %dma_start3A_413 : memref<1x!tpu.dma_semaphore, #tpu.memory_space<semaphore_mem>> -> memref<!tpu.dma_semaphore, #tpu.memory_space<semaphore_mem>>
    %dma_start3A_415 = arith.constant 0 : i32
    %dma_start3A_416 = tpu.memref_slice %arg4[%add3A_404, %dma_start3A_415] : memref<256x128xf32, #tpu.memory_space<hbm>> -> memref<1x128xf32, #tpu.memory_space<hbm>>
    %dma_start3A_417 = tpu.memref_squeeze %dma_start3A_416 : memref<1x128xf32, #tpu.memory_space<hbm>> -> memref<128xf32, #tpu.memory_space<hbm>>
    %dma_start3A_418 = arith.constant 0 : i32
    %dma_start3A_419 = tpu.memref_slice %arg6[%dma_start3A_405, %dma_start3A_418] : memref<8x128xf32, #tpu.memory_space<vmem>> -> memref<1x128xf32, #tpu.memory_space<vmem>>
    %dma_start3A_420 = tpu.memref_squeeze %dma_start3A_419 : memref<1x128xf32, #tpu.memory_space<vmem>> -> memref<128xf32, #tpu.memory_space<vmem>>
    tpu.enqueue_dma source(%dma_start3A_420 : memref<128xf32, #tpu.memory_space<vmem>>) target(%dma_start3A_417 : memref<128xf32, #tpu.memory_space<hbm>>) target_semaphore(%dma_start3A_414 : memref<!tpu.dma_semaphore, #tpu.memory_space<semaphore_mem>>)
    %dma_wait3A_421 = arith.constant 4 : i32
    %dma_wait3A_422 = arith.constant 4 : i32
    %dma_wait3A_423 = arith.constant 4 : i32
    %dma_wait3A_424 = arith.constant 0 : i32
    %dma_wait3A_425 = tpu.memref_slice %arg6[%dma_wait3A_422, %dma_wait3A_424] : memref<8x128xf32, #tpu.memory_space<vmem>> -> memref<1x128xf32, #tpu.memory_space<vmem>>
    %dma_wait3A_426 = tpu.memref_squeeze %dma_wait3A_425 : memref<1x128xf32, #tpu.memory_space<vmem>> -> memref<128xf32, #tpu.memory_space<vmem>>
    %dma_wait3A_427 = arith.constant 0 : i32
    %dma_wait3A_428 = tpu.memref_slice %arg5[%dma_wait3A_421, %dma_wait3A_427] : memref<8x128xi32, #tpu.memory_space<vmem>> -> memref<1x128xi32, #tpu.memory_space<vmem>>
    %dma_wait3A_429 = tpu.memref_squeeze %dma_wait3A_428 : memref<1x128xi32, #tpu.memory_space<vmem>> -> memref<128xi32, #tpu.memory_space<vmem>>
    %dma_wait3A_430 = tpu.memref_slice %arg2[%mul3A_189] : memref<4194304xf32, #tpu.memory_space<hbm>> -> memref<16384xf32, #tpu.memory_space<hbm>>
    %dma_wait3A_431 = arith.constant 0 : i32
    %dma_wait3A_432 = tpu.memref_slice %dma_wait3A_430[%dma_wait3A_431] : memref<16384xf32, #tpu.memory_space<hbm>> -> memref<16384xf32, #tpu.memory_space<hbm>>
    %dma_wait3A_433 = tpu.memref_slice %arg8[%dma_wait3A_423] : memref<8x!tpu.dma_semaphore, #tpu.memory_space<semaphore_mem>> -> memref<1x!tpu.dma_semaphore, #tpu.memory_space<semaphore_mem>>
    %dma_wait3A_434 = tpu.memref_squeeze %dma_wait3A_433 : memref<1x!tpu.dma_semaphore, #tpu.memory_space<semaphore_mem>> -> memref<!tpu.dma_semaphore, #tpu.memory_space<semaphore_mem>>
    tpu.wait_indirect_dma semaphore(%dma_wait3A_434 : memref<!tpu.dma_semaphore, #tpu.memory_space<semaphore_mem>>) src(%dma_wait3A_432 : memref<16384xf32, #tpu.memory_space<hbm>>) dst(%dma_wait3A_426 : memref<128xf32, #tpu.memory_space<vmem>>)
    %mul3A_435 = arith.constant 32 : i32
    %mul3A_436 = arith.muli %select_n3A, %mul3A_435 : i32
    %mul3A_437 = arith.constant 8 : i32
    %mul3A_438 = arith.muli %select_n3A_30, %mul3A_437 : i32
    %add3A_439 = arith.addi %mul3A_436, %mul3A_438 : i32
    %add3A_440 = arith.constant 4 : i32
    %add3A_441 = arith.addi %add3A_439, %add3A_440 : i32
    %dma_start3A_442 = arith.constant 4 : i32
    %dma_start3A_443 = arith.constant 4 : i32
    %dma_start3A_444 = arith.constant 0 : i32
    %dma_start3A_445 = tpu.memref_slice %arg6[%dma_start3A_442, %dma_start3A_444] : memref<8x128xf32, #tpu.memory_space<vmem>> -> memref<1x128xf32, #tpu.memory_space<vmem>>
    %dma_start3A_446 = tpu.memref_squeeze %dma_start3A_445 : memref<1x128xf32, #tpu.memory_space<vmem>> -> memref<128xf32, #tpu.memory_space<vmem>>
    %dma_start3A_447 = arith.constant 0 : i32
    %dma_start3A_448 = tpu.memref_slice %arg4[%add3A_441, %dma_start3A_447] : memref<256x128xf32, #tpu.memory_space<hbm>> -> memref<1x128xf32, #tpu.memory_space<hbm>>
    %dma_start3A_449 = tpu.memref_squeeze %dma_start3A_448 : memref<1x128xf32, #tpu.memory_space<hbm>> -> memref<128xf32, #tpu.memory_space<hbm>>
    %dma_start3A_450 = tpu.memref_slice %arg9[%dma_start3A_443] : memref<8x!tpu.dma_semaphore, #tpu.memory_space<semaphore_mem>> -> memref<1x!tpu.dma_semaphore, #tpu.memory_space<semaphore_mem>>
    %dma_start3A_451 = tpu.memref_squeeze %dma_start3A_450 : memref<1x!tpu.dma_semaphore, #tpu.memory_space<semaphore_mem>> -> memref<!tpu.dma_semaphore, #tpu.memory_space<semaphore_mem>>
    %dma_start3A_452 = arith.constant 0 : i32
    %dma_start3A_453 = tpu.memref_slice %arg4[%add3A_441, %dma_start3A_452] : memref<256x128xf32, #tpu.memory_space<hbm>> -> memref<1x128xf32, #tpu.memory_space<hbm>>
    %dma_start3A_454 = tpu.memref_squeeze %dma_start3A_453 : memref<1x128xf32, #tpu.memory_space<hbm>> -> memref<128xf32, #tpu.memory_space<hbm>>
    %dma_start3A_455 = arith.constant 0 : i32
    %dma_start3A_456 = tpu.memref_slice %arg6[%dma_start3A_442, %dma_start3A_455] : memref<8x128xf32, #tpu.memory_space<vmem>> -> memref<1x128xf32, #tpu.memory_space<vmem>>
    %dma_start3A_457 = tpu.memref_squeeze %dma_start3A_456 : memref<1x128xf32, #tpu.memory_space<vmem>> -> memref<128xf32, #tpu.memory_space<vmem>>
    tpu.enqueue_dma source(%dma_start3A_457 : memref<128xf32, #tpu.memory_space<vmem>>) target(%dma_start3A_454 : memref<128xf32, #tpu.memory_space<hbm>>) target_semaphore(%dma_start3A_451 : memref<!tpu.dma_semaphore, #tpu.memory_space<semaphore_mem>>)
    %dma_wait3A_458 = arith.constant 5 : i32
    %dma_wait3A_459 = arith.constant 5 : i32
    %dma_wait3A_460 = arith.constant 5 : i32
    %dma_wait3A_461 = arith.constant 0 : i32
    %dma_wait3A_462 = tpu.memref_slice %arg6[%dma_wait3A_459, %dma_wait3A_461] : memref<8x128xf32, #tpu.memory_space<vmem>> -> memref<1x128xf32, #tpu.memory_space<vmem>>
    %dma_wait3A_463 = tpu.memref_squeeze %dma_wait3A_462 : memref<1x128xf32, #tpu.memory_space<vmem>> -> memref<128xf32, #tpu.memory_space<vmem>>
    %dma_wait3A_464 = arith.constant 0 : i32
    %dma_wait3A_465 = tpu.memref_slice %arg5[%dma_wait3A_458, %dma_wait3A_464] : memref<8x128xi32, #tpu.memory_space<vmem>> -> memref<1x128xi32, #tpu.memory_space<vmem>>
    %dma_wait3A_466 = tpu.memref_squeeze %dma_wait3A_465 : memref<1x128xi32, #tpu.memory_space<vmem>> -> memref<128xi32, #tpu.memory_space<vmem>>
    %dma_wait3A_467 = tpu.memref_slice %arg2[%mul3A_212] : memref<4194304xf32, #tpu.memory_space<hbm>> -> memref<16384xf32, #tpu.memory_space<hbm>>
    %dma_wait3A_468 = arith.constant 0 : i32
    %dma_wait3A_469 = tpu.memref_slice %dma_wait3A_467[%dma_wait3A_468] : memref<16384xf32, #tpu.memory_space<hbm>> -> memref<16384xf32, #tpu.memory_space<hbm>>
    %dma_wait3A_470 = tpu.memref_slice %arg8[%dma_wait3A_460] : memref<8x!tpu.dma_semaphore, #tpu.memory_space<semaphore_mem>> -> memref<1x!tpu.dma_semaphore, #tpu.memory_space<semaphore_mem>>
    %dma_wait3A_471 = tpu.memref_squeeze %dma_wait3A_470 : memref<1x!tpu.dma_semaphore, #tpu.memory_space<semaphore_mem>> -> memref<!tpu.dma_semaphore, #tpu.memory_space<semaphore_mem>>
    tpu.wait_indirect_dma semaphore(%dma_wait3A_471 : memref<!tpu.dma_semaphore, #tpu.memory_space<semaphore_mem>>) src(%dma_wait3A_469 : memref<16384xf32, #tpu.memory_space<hbm>>) dst(%dma_wait3A_463 : memref<128xf32, #tpu.memory_space<vmem>>)
    %mul3A_472 = arith.constant 32 : i32
    %mul3A_473 = arith.muli %select_n3A, %mul3A_472 : i32
    %mul3A_474 = arith.constant 8 : i32
    %mul3A_475 = arith.muli %select_n3A_30, %mul3A_474 : i32
    %add3A_476 = arith.addi %mul3A_473, %mul3A_475 : i32
    %add3A_477 = arith.constant 5 : i32
    %add3A_478 = arith.addi %add3A_476, %add3A_477 : i32
    %dma_start3A_479 = arith.constant 5 : i32
    %dma_start3A_480 = arith.constant 5 : i32
    %dma_start3A_481 = arith.constant 0 : i32
    %dma_start3A_482 = tpu.memref_slice %arg6[%dma_start3A_479, %dma_start3A_481] : memref<8x128xf32, #tpu.memory_space<vmem>> -> memref<1x128xf32, #tpu.memory_space<vmem>>
    %dma_start3A_483 = tpu.memref_squeeze %dma_start3A_482 : memref<1x128xf32, #tpu.memory_space<vmem>> -> memref<128xf32, #tpu.memory_space<vmem>>
    %dma_start3A_484 = arith.constant 0 : i32
    %dma_start3A_485 = tpu.memref_slice %arg4[%add3A_478, %dma_start3A_484] : memref<256x128xf32, #tpu.memory_space<hbm>> -> memref<1x128xf32, #tpu.memory_space<hbm>>
    %dma_start3A_486 = tpu.memref_squeeze %dma_start3A_485 : memref<1x128xf32, #tpu.memory_space<hbm>> -> memref<128xf32, #tpu.memory_space<hbm>>
    %dma_start3A_487 = tpu.memref_slice %arg9[%dma_start3A_480] : memref<8x!tpu.dma_semaphore, #tpu.memory_space<semaphore_mem>> -> memref<1x!tpu.dma_semaphore, #tpu.memory_space<semaphore_mem>>
    %dma_start3A_488 = tpu.memref_squeeze %dma_start3A_487 : memref<1x!tpu.dma_semaphore, #tpu.memory_space<semaphore_mem>> -> memref<!tpu.dma_semaphore, #tpu.memory_space<semaphore_mem>>
    %dma_start3A_489 = arith.constant 0 : i32
    %dma_start3A_490 = tpu.memref_slice %arg4[%add3A_478, %dma_start3A_489] : memref<256x128xf32, #tpu.memory_space<hbm>> -> memref<1x128xf32, #tpu.memory_space<hbm>>
    %dma_start3A_491 = tpu.memref_squeeze %dma_start3A_490 : memref<1x128xf32, #tpu.memory_space<hbm>> -> memref<128xf32, #tpu.memory_space<hbm>>
    %dma_start3A_492 = arith.constant 0 : i32
    %dma_start3A_493 = tpu.memref_slice %arg6[%dma_start3A_479, %dma_start3A_492] : memref<8x128xf32, #tpu.memory_space<vmem>> -> memref<1x128xf32, #tpu.memory_space<vmem>>
    %dma_start3A_494 = tpu.memref_squeeze %dma_start3A_493 : memref<1x128xf32, #tpu.memory_space<vmem>> -> memref<128xf32, #tpu.memory_space<vmem>>
    tpu.enqueue_dma source(%dma_start3A_494 : memref<128xf32, #tpu.memory_space<vmem>>) target(%dma_start3A_491 : memref<128xf32, #tpu.memory_space<hbm>>) target_semaphore(%dma_start3A_488 : memref<!tpu.dma_semaphore, #tpu.memory_space<semaphore_mem>>)
    %dma_wait3A_495 = arith.constant 6 : i32
    %dma_wait3A_496 = arith.constant 6 : i32
    %dma_wait3A_497 = arith.constant 6 : i32
    %dma_wait3A_498 = arith.constant 0 : i32
    %dma_wait3A_499 = tpu.memref_slice %arg6[%dma_wait3A_496, %dma_wait3A_498] : memref<8x128xf32, #tpu.memory_space<vmem>> -> memref<1x128xf32, #tpu.memory_space<vmem>>
    %dma_wait3A_500 = tpu.memref_squeeze %dma_wait3A_499 : memref<1x128xf32, #tpu.memory_space<vmem>> -> memref<128xf32, #tpu.memory_space<vmem>>
    %dma_wait3A_501 = arith.constant 0 : i32
    %dma_wait3A_502 = tpu.memref_slice %arg5[%dma_wait3A_495, %dma_wait3A_501] : memref<8x128xi32, #tpu.memory_space<vmem>> -> memref<1x128xi32, #tpu.memory_space<vmem>>
    %dma_wait3A_503 = tpu.memref_squeeze %dma_wait3A_502 : memref<1x128xi32, #tpu.memory_space<vmem>> -> memref<128xi32, #tpu.memory_space<vmem>>
    %dma_wait3A_504 = tpu.memref_slice %arg2[%mul3A_235] : memref<4194304xf32, #tpu.memory_space<hbm>> -> memref<16384xf32, #tpu.memory_space<hbm>>
    %dma_wait3A_505 = arith.constant 0 : i32
    %dma_wait3A_506 = tpu.memref_slice %dma_wait3A_504[%dma_wait3A_505] : memref<16384xf32, #tpu.memory_space<hbm>> -> memref<16384xf32, #tpu.memory_space<hbm>>
    %dma_wait3A_507 = tpu.memref_slice %arg8[%dma_wait3A_497] : memref<8x!tpu.dma_semaphore, #tpu.memory_space<semaphore_mem>> -> memref<1x!tpu.dma_semaphore, #tpu.memory_space<semaphore_mem>>
    %dma_wait3A_508 = tpu.memref_squeeze %dma_wait3A_507 : memref<1x!tpu.dma_semaphore, #tpu.memory_space<semaphore_mem>> -> memref<!tpu.dma_semaphore, #tpu.memory_space<semaphore_mem>>
    tpu.wait_indirect_dma semaphore(%dma_wait3A_508 : memref<!tpu.dma_semaphore, #tpu.memory_space<semaphore_mem>>) src(%dma_wait3A_506 : memref<16384xf32, #tpu.memory_space<hbm>>) dst(%dma_wait3A_500 : memref<128xf32, #tpu.memory_space<vmem>>)
    %mul3A_509 = arith.constant 32 : i32
    %mul3A_510 = arith.muli %select_n3A, %mul3A_509 : i32
    %mul3A_511 = arith.constant 8 : i32
    %mul3A_512 = arith.muli %select_n3A_30, %mul3A_511 : i32
    %add3A_513 = arith.addi %mul3A_510, %mul3A_512 : i32
    %add3A_514 = arith.constant 6 : i32
    %add3A_515 = arith.addi %add3A_513, %add3A_514 : i32
    %dma_start3A_516 = arith.constant 6 : i32
    %dma_start3A_517 = arith.constant 6 : i32
    %dma_start3A_518 = arith.constant 0 : i32
    %dma_start3A_519 = tpu.memref_slice %arg6[%dma_start3A_516, %dma_start3A_518] : memref<8x128xf32, #tpu.memory_space<vmem>> -> memref<1x128xf32, #tpu.memory_space<vmem>>
    %dma_start3A_520 = tpu.memref_squeeze %dma_start3A_519 : memref<1x128xf32, #tpu.memory_space<vmem>> -> memref<128xf32, #tpu.memory_space<vmem>>
    %dma_start3A_521 = arith.constant 0 : i32
    %dma_start3A_522 = tpu.memref_slice %arg4[%add3A_515, %dma_start3A_521] : memref<256x128xf32, #tpu.memory_space<hbm>> -> memref<1x128xf32, #tpu.memory_space<hbm>>
    %dma_start3A_523 = tpu.memref_squeeze %dma_start3A_522 : memref<1x128xf32, #tpu.memory_space<hbm>> -> memref<128xf32, #tpu.memory_space<hbm>>
    %dma_start3A_524 = tpu.memref_slice %arg9[%dma_start3A_517] : memref<8x!tpu.dma_semaphore, #tpu.memory_space<semaphore_mem>> -> memref<1x!tpu.dma_semaphore, #tpu.memory_space<semaphore_mem>>
    %dma_start3A_525 = tpu.memref_squeeze %dma_start3A_524 : memref<1x!tpu.dma_semaphore, #tpu.memory_space<semaphore_mem>> -> memref<!tpu.dma_semaphore, #tpu.memory_space<semaphore_mem>>
    %dma_start3A_526 = arith.constant 0 : i32
    %dma_start3A_527 = tpu.memref_slice %arg4[%add3A_515, %dma_start3A_526] : memref<256x128xf32, #tpu.memory_space<hbm>> -> memref<1x128xf32, #tpu.memory_space<hbm>>
    %dma_start3A_528 = tpu.memref_squeeze %dma_start3A_527 : memref<1x128xf32, #tpu.memory_space<hbm>> -> memref<128xf32, #tpu.memory_space<hbm>>
    %dma_start3A_529 = arith.constant 0 : i32
    %dma_start3A_530 = tpu.memref_slice %arg6[%dma_start3A_516, %dma_start3A_529] : memref<8x128xf32, #tpu.memory_space<vmem>> -> memref<1x128xf32, #tpu.memory_space<vmem>>
    %dma_start3A_531 = tpu.memref_squeeze %dma_start3A_530 : memref<1x128xf32, #tpu.memory_space<vmem>> -> memref<128xf32, #tpu.memory_space<vmem>>
    tpu.enqueue_dma source(%dma_start3A_531 : memref<128xf32, #tpu.memory_space<vmem>>) target(%dma_start3A_528 : memref<128xf32, #tpu.memory_space<hbm>>) target_semaphore(%dma_start3A_525 : memref<!tpu.dma_semaphore, #tpu.memory_space<semaphore_mem>>)
    %dma_wait3A_532 = arith.constant 7 : i32
    %dma_wait3A_533 = arith.constant 7 : i32
    %dma_wait3A_534 = arith.constant 7 : i32
    %dma_wait3A_535 = arith.constant 0 : i32
    %dma_wait3A_536 = tpu.memref_slice %arg6[%dma_wait3A_533, %dma_wait3A_535] : memref<8x128xf32, #tpu.memory_space<vmem>> -> memref<1x128xf32, #tpu.memory_space<vmem>>
    %dma_wait3A_537 = tpu.memref_squeeze %dma_wait3A_536 : memref<1x128xf32, #tpu.memory_space<vmem>> -> memref<128xf32, #tpu.memory_space<vmem>>
    %dma_wait3A_538 = arith.constant 0 : i32
    %dma_wait3A_539 = tpu.memref_slice %arg5[%dma_wait3A_532, %dma_wait3A_538] : memref<8x128xi32, #tpu.memory_space<vmem>> -> memref<1x128xi32, #tpu.memory_space<vmem>>
    %dma_wait3A_540 = tpu.memref_squeeze %dma_wait3A_539 : memref<1x128xi32, #tpu.memory_space<vmem>> -> memref<128xi32, #tpu.memory_space<vmem>>
    %dma_wait3A_541 = tpu.memref_slice %arg2[%mul3A_258] : memref<4194304xf32, #tpu.memory_space<hbm>> -> memref<16384xf32, #tpu.memory_space<hbm>>
    %dma_wait3A_542 = arith.constant 0 : i32
    %dma_wait3A_543 = tpu.memref_slice %dma_wait3A_541[%dma_wait3A_542] : memref<16384xf32, #tpu.memory_space<hbm>> -> memref<16384xf32, #tpu.memory_space<hbm>>
    %dma_wait3A_544 = tpu.memref_slice %arg8[%dma_wait3A_534] : memref<8x!tpu.dma_semaphore, #tpu.memory_space<semaphore_mem>> -> memref<1x!tpu.dma_semaphore, #tpu.memory_space<semaphore_mem>>
    %dma_wait3A_545 = tpu.memref_squeeze %dma_wait3A_544 : memref<1x!tpu.dma_semaphore, #tpu.memory_space<semaphore_mem>> -> memref<!tpu.dma_semaphore, #tpu.memory_space<semaphore_mem>>
    tpu.wait_indirect_dma semaphore(%dma_wait3A_545 : memref<!tpu.dma_semaphore, #tpu.memory_space<semaphore_mem>>) src(%dma_wait3A_543 : memref<16384xf32, #tpu.memory_space<hbm>>) dst(%dma_wait3A_537 : memref<128xf32, #tpu.memory_space<vmem>>)
    %mul3A_546 = arith.constant 32 : i32
    %mul3A_547 = arith.muli %select_n3A, %mul3A_546 : i32
    %mul3A_548 = arith.constant 8 : i32
    %mul3A_549 = arith.muli %select_n3A_30, %mul3A_548 : i32
    %add3A_550 = arith.addi %mul3A_547, %mul3A_549 : i32
    %add3A_551 = arith.constant 7 : i32
    %add3A_552 = arith.addi %add3A_550, %add3A_551 : i32
    %dma_start3A_553 = arith.constant 7 : i32
    %dma_start3A_554 = arith.constant 7 : i32
    %dma_start3A_555 = arith.constant 0 : i32
    %dma_start3A_556 = tpu.memref_slice %arg6[%dma_start3A_553, %dma_start3A_555] : memref<8x128xf32, #tpu.memory_space<vmem>> -> memref<1x128xf32, #tpu.memory_space<vmem>>
    %dma_start3A_557 = tpu.memref_squeeze %dma_start3A_556 : memref<1x128xf32, #tpu.memory_space<vmem>> -> memref<128xf32, #tpu.memory_space<vmem>>
    %dma_start3A_558 = arith.constant 0 : i32
    %dma_start3A_559 = tpu.memref_slice %arg4[%add3A_552, %dma_start3A_558] : memref<256x128xf32, #tpu.memory_space<hbm>> -> memref<1x128xf32, #tpu.memory_space<hbm>>
    %dma_start3A_560 = tpu.memref_squeeze %dma_start3A_559 : memref<1x128xf32, #tpu.memory_space<hbm>> -> memref<128xf32, #tpu.memory_space<hbm>>
    %dma_start3A_561 = tpu.memref_slice %arg9[%dma_start3A_554] : memref<8x!tpu.dma_semaphore, #tpu.memory_space<semaphore_mem>> -> memref<1x!tpu.dma_semaphore, #tpu.memory_space<semaphore_mem>>
    %dma_start3A_562 = tpu.memref_squeeze %dma_start3A_561 : memref<1x!tpu.dma_semaphore, #tpu.memory_space<semaphore_mem>> -> memref<!tpu.dma_semaphore, #tpu.memory_space<semaphore_mem>>
    %dma_start3A_563 = arith.constant 0 : i32
    %dma_start3A_564 = tpu.memref_slice %arg4[%add3A_552, %dma_start3A_563] : memref<256x128xf32, #tpu.memory_space<hbm>> -> memref<1x128xf32, #tpu.memory_space<hbm>>
    %dma_start3A_565 = tpu.memref_squeeze %dma_start3A_564 : memref<1x128xf32, #tpu.memory_space<hbm>> -> memref<128xf32, #tpu.memory_space<hbm>>
    %dma_start3A_566 = arith.constant 0 : i32
    %dma_start3A_567 = tpu.memref_slice %arg6[%dma_start3A_553, %dma_start3A_566] : memref<8x128xf32, #tpu.memory_space<vmem>> -> memref<1x128xf32, #tpu.memory_space<vmem>>
    %dma_start3A_568 = tpu.memref_squeeze %dma_start3A_567 : memref<1x128xf32, #tpu.memory_space<vmem>> -> memref<128xf32, #tpu.memory_space<vmem>>
    tpu.enqueue_dma source(%dma_start3A_568 : memref<128xf32, #tpu.memory_space<vmem>>) target(%dma_start3A_565 : memref<128xf32, #tpu.memory_space<hbm>>) target_semaphore(%dma_start3A_562 : memref<!tpu.dma_semaphore, #tpu.memory_space<semaphore_mem>>)
    %dma_wait3A_569 = arith.constant 0 : i32
    %dma_wait3A_570 = arith.constant 0 : i32
    %dma_wait3A_571 = arith.constant 0 : i32
    %dma_wait3A_572 = tpu.memref_slice %arg6[%dma_wait3A_569, %dma_wait3A_571] : memref<8x128xf32, #tpu.memory_space<vmem>> -> memref<1x128xf32, #tpu.memory_space<vmem>>
    %dma_wait3A_573 = tpu.memref_squeeze %dma_wait3A_572 : memref<1x128xf32, #tpu.memory_space<vmem>> -> memref<128xf32, #tpu.memory_space<vmem>>
    %dma_wait3A_574 = arith.constant 0 : i32
    %dma_wait3A_575 = tpu.memref_slice %arg4[%add3A_293, %dma_wait3A_574] : memref<256x128xf32, #tpu.memory_space<hbm>> -> memref<1x128xf32, #tpu.memory_space<hbm>>
    %dma_wait3A_576 = tpu.memref_squeeze %dma_wait3A_575 : memref<1x128xf32, #tpu.memory_space<hbm>> -> memref<128xf32, #tpu.memory_space<hbm>>
    %dma_wait3A_577 = tpu.memref_slice %arg9[%dma_wait3A_570] : memref<8x!tpu.dma_semaphore, #tpu.memory_space<semaphore_mem>> -> memref<1x!tpu.dma_semaphore, #tpu.memory_space<semaphore_mem>>
    %dma_wait3A_578 = tpu.memref_squeeze %dma_wait3A_577 : memref<1x!tpu.dma_semaphore, #tpu.memory_space<semaphore_mem>> -> memref<!tpu.dma_semaphore, #tpu.memory_space<semaphore_mem>>
    %dma_wait3A_579 = arith.constant 0 : i32
    %dma_wait3A_580 = tpu.memref_slice %arg4[%add3A_293, %dma_wait3A_579] : memref<256x128xf32, #tpu.memory_space<hbm>> -> memref<1x128xf32, #tpu.memory_space<hbm>>
    %dma_wait3A_581 = tpu.memref_squeeze %dma_wait3A_580 : memref<1x128xf32, #tpu.memory_space<hbm>> -> memref<128xf32, #tpu.memory_space<hbm>>
    %dma_wait3A_582 = arith.constant 0 : i32
    %dma_wait3A_583 = tpu.memref_slice %arg6[%dma_wait3A_569, %dma_wait3A_582] : memref<8x128xf32, #tpu.memory_space<vmem>> -> memref<1x128xf32, #tpu.memory_space<vmem>>
    %dma_wait3A_584 = tpu.memref_squeeze %dma_wait3A_583 : memref<1x128xf32, #tpu.memory_space<vmem>> -> memref<128xf32, #tpu.memory_space<vmem>>
    tpu.wait_dma2 semaphore(%dma_wait3A_578 : memref<!tpu.dma_semaphore, #tpu.memory_space<semaphore_mem>>) src(%dma_wait3A_584 : memref<128xf32, #tpu.memory_space<vmem>>) dst(%dma_wait3A_581 : memref<128xf32, #tpu.memory_space<hbm>>)
    %dma_wait3A_585 = arith.constant 1 : i32
    %dma_wait3A_586 = arith.constant 1 : i32
    %dma_wait3A_587 = arith.constant 0 : i32
    %dma_wait3A_588 = tpu.memref_slice %arg6[%dma_wait3A_585, %dma_wait3A_587] : memref<8x128xf32, #tpu.memory_space<vmem>> -> memref<1x128xf32, #tpu.memory_space<vmem>>
    %dma_wait3A_589 = tpu.memref_squeeze %dma_wait3A_588 : memref<1x128xf32, #tpu.memory_space<vmem>> -> memref<128xf32, #tpu.memory_space<vmem>>
    %dma_wait3A_590 = arith.constant 0 : i32
    %dma_wait3A_591 = tpu.memref_slice %arg4[%add3A_330, %dma_wait3A_590] : memref<256x128xf32, #tpu.memory_space<hbm>> -> memref<1x128xf32, #tpu.memory_space<hbm>>
    %dma_wait3A_592 = tpu.memref_squeeze %dma_wait3A_591 : memref<1x128xf32, #tpu.memory_space<hbm>> -> memref<128xf32, #tpu.memory_space<hbm>>
    %dma_wait3A_593 = tpu.memref_slice %arg9[%dma_wait3A_586] : memref<8x!tpu.dma_semaphore, #tpu.memory_space<semaphore_mem>> -> memref<1x!tpu.dma_semaphore, #tpu.memory_space<semaphore_mem>>
    %dma_wait3A_594 = tpu.memref_squeeze %dma_wait3A_593 : memref<1x!tpu.dma_semaphore, #tpu.memory_space<semaphore_mem>> -> memref<!tpu.dma_semaphore, #tpu.memory_space<semaphore_mem>>
    %dma_wait3A_595 = arith.constant 0 : i32
    %dma_wait3A_596 = tpu.memref_slice %arg4[%add3A_330, %dma_wait3A_595] : memref<256x128xf32, #tpu.memory_space<hbm>> -> memref<1x128xf32, #tpu.memory_space<hbm>>
    %dma_wait3A_597 = tpu.memref_squeeze %dma_wait3A_596 : memref<1x128xf32, #tpu.memory_space<hbm>> -> memref<128xf32, #tpu.memory_space<hbm>>
    %dma_wait3A_598 = arith.constant 0 : i32
    %dma_wait3A_599 = tpu.memref_slice %arg6[%dma_wait3A_585, %dma_wait3A_598] : memref<8x128xf32, #tpu.memory_space<vmem>> -> memref<1x128xf32, #tpu.memory_space<vmem>>
    %dma_wait3A_600 = tpu.memref_squeeze %dma_wait3A_599 : memref<1x128xf32, #tpu.memory_space<vmem>> -> memref<128xf32, #tpu.memory_space<vmem>>
    tpu.wait_dma2 semaphore(%dma_wait3A_594 : memref<!tpu.dma_semaphore, #tpu.memory_space<semaphore_mem>>) src(%dma_wait3A_600 : memref<128xf32, #tpu.memory_space<vmem>>) dst(%dma_wait3A_597 : memref<128xf32, #tpu.memory_space<hbm>>)
    %dma_wait3A_601 = arith.constant 2 : i32
    %dma_wait3A_602 = arith.constant 2 : i32
    %dma_wait3A_603 = arith.constant 0 : i32
    %dma_wait3A_604 = tpu.memref_slice %arg6[%dma_wait3A_601, %dma_wait3A_603] : memref<8x128xf32, #tpu.memory_space<vmem>> -> memref<1x128xf32, #tpu.memory_space<vmem>>
    %dma_wait3A_605 = tpu.memref_squeeze %dma_wait3A_604 : memref<1x128xf32, #tpu.memory_space<vmem>> -> memref<128xf32, #tpu.memory_space<vmem>>
    %dma_wait3A_606 = arith.constant 0 : i32
    %dma_wait3A_607 = tpu.memref_slice %arg4[%add3A_367, %dma_wait3A_606] : memref<256x128xf32, #tpu.memory_space<hbm>> -> memref<1x128xf32, #tpu.memory_space<hbm>>
    %dma_wait3A_608 = tpu.memref_squeeze %dma_wait3A_607 : memref<1x128xf32, #tpu.memory_space<hbm>> -> memref<128xf32, #tpu.memory_space<hbm>>
    %dma_wait3A_609 = tpu.memref_slice %arg9[%dma_wait3A_602] : memref<8x!tpu.dma_semaphore, #tpu.memory_space<semaphore_mem>> -> memref<1x!tpu.dma_semaphore, #tpu.memory_space<semaphore_mem>>
    %dma_wait3A_610 = tpu.memref_squeeze %dma_wait3A_609 : memref<1x!tpu.dma_semaphore, #tpu.memory_space<semaphore_mem>> -> memref<!tpu.dma_semaphore, #tpu.memory_space<semaphore_mem>>
    %dma_wait3A_611 = arith.constant 0 : i32
    %dma_wait3A_612 = tpu.memref_slice %arg4[%add3A_367, %dma_wait3A_611] : memref<256x128xf32, #tpu.memory_space<hbm>> -> memref<1x128xf32, #tpu.memory_space<hbm>>
    %dma_wait3A_613 = tpu.memref_squeeze %dma_wait3A_612 : memref<1x128xf32, #tpu.memory_space<hbm>> -> memref<128xf32, #tpu.memory_space<hbm>>
    %dma_wait3A_614 = arith.constant 0 : i32
    %dma_wait3A_615 = tpu.memref_slice %arg6[%dma_wait3A_601, %dma_wait3A_614] : memref<8x128xf32, #tpu.memory_space<vmem>> -> memref<1x128xf32, #tpu.memory_space<vmem>>
    %dma_wait3A_616 = tpu.memref_squeeze %dma_wait3A_615 : memref<1x128xf32, #tpu.memory_space<vmem>> -> memref<128xf32, #tpu.memory_space<vmem>>
    tpu.wait_dma2 semaphore(%dma_wait3A_610 : memref<!tpu.dma_semaphore, #tpu.memory_space<semaphore_mem>>) src(%dma_wait3A_616 : memref<128xf32, #tpu.memory_space<vmem>>) dst(%dma_wait3A_613 : memref<128xf32, #tpu.memory_space<hbm>>)
    %dma_wait3A_617 = arith.constant 3 : i32
    %dma_wait3A_618 = arith.constant 3 : i32
    %dma_wait3A_619 = arith.constant 0 : i32
    %dma_wait3A_620 = tpu.memref_slice %arg6[%dma_wait3A_617, %dma_wait3A_619] : memref<8x128xf32, #tpu.memory_space<vmem>> -> memref<1x128xf32, #tpu.memory_space<vmem>>
    %dma_wait3A_621 = tpu.memref_squeeze %dma_wait3A_620 : memref<1x128xf32, #tpu.memory_space<vmem>> -> memref<128xf32, #tpu.memory_space<vmem>>
    %dma_wait3A_622 = arith.constant 0 : i32
    %dma_wait3A_623 = tpu.memref_slice %arg4[%add3A_404, %dma_wait3A_622] : memref<256x128xf32, #tpu.memory_space<hbm>> -> memref<1x128xf32, #tpu.memory_space<hbm>>
    %dma_wait3A_624 = tpu.memref_squeeze %dma_wait3A_623 : memref<1x128xf32, #tpu.memory_space<hbm>> -> memref<128xf32, #tpu.memory_space<hbm>>
    %dma_wait3A_625 = tpu.memref_slice %arg9[%dma_wait3A_618] : memref<8x!tpu.dma_semaphore, #tpu.memory_space<semaphore_mem>> -> memref<1x!tpu.dma_semaphore, #tpu.memory_space<semaphore_mem>>
    %dma_wait3A_626 = tpu.memref_squeeze %dma_wait3A_625 : memref<1x!tpu.dma_semaphore, #tpu.memory_space<semaphore_mem>> -> memref<!tpu.dma_semaphore, #tpu.memory_space<semaphore_mem>>
    %dma_wait3A_627 = arith.constant 0 : i32
    %dma_wait3A_628 = tpu.memref_slice %arg4[%add3A_404, %dma_wait3A_627] : memref<256x128xf32, #tpu.memory_space<hbm>> -> memref<1x128xf32, #tpu.memory_space<hbm>>
    %dma_wait3A_629 = tpu.memref_squeeze %dma_wait3A_628 : memref<1x128xf32, #tpu.memory_space<hbm>> -> memref<128xf32, #tpu.memory_space<hbm>>
    %dma_wait3A_630 = arith.constant 0 : i32
    %dma_wait3A_631 = tpu.memref_slice %arg6[%dma_wait3A_617, %dma_wait3A_630] : memref<8x128xf32, #tpu.memory_space<vmem>> -> memref<1x128xf32, #tpu.memory_space<vmem>>
    %dma_wait3A_632 = tpu.memref_squeeze %dma_wait3A_631 : memref<1x128xf32, #tpu.memory_space<vmem>> -> memref<128xf32, #tpu.memory_space<vmem>>
    tpu.wait_dma2 semaphore(%dma_wait3A_626 : memref<!tpu.dma_semaphore, #tpu.memory_space<semaphore_mem>>) src(%dma_wait3A_632 : memref<128xf32, #tpu.memory_space<vmem>>) dst(%dma_wait3A_629 : memref<128xf32, #tpu.memory_space<hbm>>)
    %dma_wait3A_633 = arith.constant 4 : i32
    %dma_wait3A_634 = arith.constant 4 : i32
    %dma_wait3A_635 = arith.constant 0 : i32
    %dma_wait3A_636 = tpu.memref_slice %arg6[%dma_wait3A_633, %dma_wait3A_635] : memref<8x128xf32, #tpu.memory_space<vmem>> -> memref<1x128xf32, #tpu.memory_space<vmem>>
    %dma_wait3A_637 = tpu.memref_squeeze %dma_wait3A_636 : memref<1x128xf32, #tpu.memory_space<vmem>> -> memref<128xf32, #tpu.memory_space<vmem>>
    %dma_wait3A_638 = arith.constant 0 : i32
    %dma_wait3A_639 = tpu.memref_slice %arg4[%add3A_441, %dma_wait3A_638] : memref<256x128xf32, #tpu.memory_space<hbm>> -> memref<1x128xf32, #tpu.memory_space<hbm>>
    %dma_wait3A_640 = tpu.memref_squeeze %dma_wait3A_639 : memref<1x128xf32, #tpu.memory_space<hbm>> -> memref<128xf32, #tpu.memory_space<hbm>>
    %dma_wait3A_641 = tpu.memref_slice %arg9[%dma_wait3A_634] : memref<8x!tpu.dma_semaphore, #tpu.memory_space<semaphore_mem>> -> memref<1x!tpu.dma_semaphore, #tpu.memory_space<semaphore_mem>>
    %dma_wait3A_642 = tpu.memref_squeeze %dma_wait3A_641 : memref<1x!tpu.dma_semaphore, #tpu.memory_space<semaphore_mem>> -> memref<!tpu.dma_semaphore, #tpu.memory_space<semaphore_mem>>
    %dma_wait3A_643 = arith.constant 0 : i32
    %dma_wait3A_644 = tpu.memref_slice %arg4[%add3A_441, %dma_wait3A_643] : memref<256x128xf32, #tpu.memory_space<hbm>> -> memref<1x128xf32, #tpu.memory_space<hbm>>
    %dma_wait3A_645 = tpu.memref_squeeze %dma_wait3A_644 : memref<1x128xf32, #tpu.memory_space<hbm>> -> memref<128xf32, #tpu.memory_space<hbm>>
    %dma_wait3A_646 = arith.constant 0 : i32
    %dma_wait3A_647 = tpu.memref_slice %arg6[%dma_wait3A_633, %dma_wait3A_646] : memref<8x128xf32, #tpu.memory_space<vmem>> -> memref<1x128xf32, #tpu.memory_space<vmem>>
    %dma_wait3A_648 = tpu.memref_squeeze %dma_wait3A_647 : memref<1x128xf32, #tpu.memory_space<vmem>> -> memref<128xf32, #tpu.memory_space<vmem>>
    tpu.wait_dma2 semaphore(%dma_wait3A_642 : memref<!tpu.dma_semaphore, #tpu.memory_space<semaphore_mem>>) src(%dma_wait3A_648 : memref<128xf32, #tpu.memory_space<vmem>>) dst(%dma_wait3A_645 : memref<128xf32, #tpu.memory_space<hbm>>)
    %dma_wait3A_649 = arith.constant 5 : i32
    %dma_wait3A_650 = arith.constant 5 : i32
    %dma_wait3A_651 = arith.constant 0 : i32
    %dma_wait3A_652 = tpu.memref_slice %arg6[%dma_wait3A_649, %dma_wait3A_651] : memref<8x128xf32, #tpu.memory_space<vmem>> -> memref<1x128xf32, #tpu.memory_space<vmem>>
    %dma_wait3A_653 = tpu.memref_squeeze %dma_wait3A_652 : memref<1x128xf32, #tpu.memory_space<vmem>> -> memref<128xf32, #tpu.memory_space<vmem>>
    %dma_wait3A_654 = arith.constant 0 : i32
    %dma_wait3A_655 = tpu.memref_slice %arg4[%add3A_478, %dma_wait3A_654] : memref<256x128xf32, #tpu.memory_space<hbm>> -> memref<1x128xf32, #tpu.memory_space<hbm>>
    %dma_wait3A_656 = tpu.memref_squeeze %dma_wait3A_655 : memref<1x128xf32, #tpu.memory_space<hbm>> -> memref<128xf32, #tpu.memory_space<hbm>>
    %dma_wait3A_657 = tpu.memref_slice %arg9[%dma_wait3A_650] : memref<8x!tpu.dma_semaphore, #tpu.memory_space<semaphore_mem>> -> memref<1x!tpu.dma_semaphore, #tpu.memory_space<semaphore_mem>>
    %dma_wait3A_658 = tpu.memref_squeeze %dma_wait3A_657 : memref<1x!tpu.dma_semaphore, #tpu.memory_space<semaphore_mem>> -> memref<!tpu.dma_semaphore, #tpu.memory_space<semaphore_mem>>
    %dma_wait3A_659 = arith.constant 0 : i32
    %dma_wait3A_660 = tpu.memref_slice %arg4[%add3A_478, %dma_wait3A_659] : memref<256x128xf32, #tpu.memory_space<hbm>> -> memref<1x128xf32, #tpu.memory_space<hbm>>
    %dma_wait3A_661 = tpu.memref_squeeze %dma_wait3A_660 : memref<1x128xf32, #tpu.memory_space<hbm>> -> memref<128xf32, #tpu.memory_space<hbm>>
    %dma_wait3A_662 = arith.constant 0 : i32
    %dma_wait3A_663 = tpu.memref_slice %arg6[%dma_wait3A_649, %dma_wait3A_662] : memref<8x128xf32, #tpu.memory_space<vmem>> -> memref<1x128xf32, #tpu.memory_space<vmem>>
    %dma_wait3A_664 = tpu.memref_squeeze %dma_wait3A_663 : memref<1x128xf32, #tpu.memory_space<vmem>> -> memref<128xf32, #tpu.memory_space<vmem>>
    tpu.wait_dma2 semaphore(%dma_wait3A_658 : memref<!tpu.dma_semaphore, #tpu.memory_space<semaphore_mem>>) src(%dma_wait3A_664 : memref<128xf32, #tpu.memory_space<vmem>>) dst(%dma_wait3A_661 : memref<128xf32, #tpu.memory_space<hbm>>)
    %dma_wait3A_665 = arith.constant 6 : i32
    %dma_wait3A_666 = arith.constant 6 : i32
    %dma_wait3A_667 = arith.constant 0 : i32
    %dma_wait3A_668 = tpu.memref_slice %arg6[%dma_wait3A_665, %dma_wait3A_667] : memref<8x128xf32, #tpu.memory_space<vmem>> -> memref<1x128xf32, #tpu.memory_space<vmem>>
    %dma_wait3A_669 = tpu.memref_squeeze %dma_wait3A_668 : memref<1x128xf32, #tpu.memory_space<vmem>> -> memref<128xf32, #tpu.memory_space<vmem>>
    %dma_wait3A_670 = arith.constant 0 : i32
    %dma_wait3A_671 = tpu.memref_slice %arg4[%add3A_515, %dma_wait3A_670] : memref<256x128xf32, #tpu.memory_space<hbm>> -> memref<1x128xf32, #tpu.memory_space<hbm>>
    %dma_wait3A_672 = tpu.memref_squeeze %dma_wait3A_671 : memref<1x128xf32, #tpu.memory_space<hbm>> -> memref<128xf32, #tpu.memory_space<hbm>>
    %dma_wait3A_673 = tpu.memref_slice %arg9[%dma_wait3A_666] : memref<8x!tpu.dma_semaphore, #tpu.memory_space<semaphore_mem>> -> memref<1x!tpu.dma_semaphore, #tpu.memory_space<semaphore_mem>>
    %dma_wait3A_674 = tpu.memref_squeeze %dma_wait3A_673 : memref<1x!tpu.dma_semaphore, #tpu.memory_space<semaphore_mem>> -> memref<!tpu.dma_semaphore, #tpu.memory_space<semaphore_mem>>
    %dma_wait3A_675 = arith.constant 0 : i32
    %dma_wait3A_676 = tpu.memref_slice %arg4[%add3A_515, %dma_wait3A_675] : memref<256x128xf32, #tpu.memory_space<hbm>> -> memref<1x128xf32, #tpu.memory_space<hbm>>
    %dma_wait3A_677 = tpu.memref_squeeze %dma_wait3A_676 : memref<1x128xf32, #tpu.memory_space<hbm>> -> memref<128xf32, #tpu.memory_space<hbm>>
    %dma_wait3A_678 = arith.constant 0 : i32
    %dma_wait3A_679 = tpu.memref_slice %arg6[%dma_wait3A_665, %dma_wait3A_678] : memref<8x128xf32, #tpu.memory_space<vmem>> -> memref<1x128xf32, #tpu.memory_space<vmem>>
    %dma_wait3A_680 = tpu.memref_squeeze %dma_wait3A_679 : memref<1x128xf32, #tpu.memory_space<vmem>> -> memref<128xf32, #tpu.memory_space<vmem>>
    tpu.wait_dma2 semaphore(%dma_wait3A_674 : memref<!tpu.dma_semaphore, #tpu.memory_space<semaphore_mem>>) src(%dma_wait3A_680 : memref<128xf32, #tpu.memory_space<vmem>>) dst(%dma_wait3A_677 : memref<128xf32, #tpu.memory_space<hbm>>)
    %dma_wait3A_681 = arith.constant 7 : i32
    %dma_wait3A_682 = arith.constant 7 : i32
    %dma_wait3A_683 = arith.constant 0 : i32
    %dma_wait3A_684 = tpu.memref_slice %arg6[%dma_wait3A_681, %dma_wait3A_683] : memref<8x128xf32, #tpu.memory_space<vmem>> -> memref<1x128xf32, #tpu.memory_space<vmem>>
    %dma_wait3A_685 = tpu.memref_squeeze %dma_wait3A_684 : memref<1x128xf32, #tpu.memory_space<vmem>> -> memref<128xf32, #tpu.memory_space<vmem>>
    %dma_wait3A_686 = arith.constant 0 : i32
    %dma_wait3A_687 = tpu.memref_slice %arg4[%add3A_552, %dma_wait3A_686] : memref<256x128xf32, #tpu.memory_space<hbm>> -> memref<1x128xf32, #tpu.memory_space<hbm>>
    %dma_wait3A_688 = tpu.memref_squeeze %dma_wait3A_687 : memref<1x128xf32, #tpu.memory_space<hbm>> -> memref<128xf32, #tpu.memory_space<hbm>>
    %dma_wait3A_689 = tpu.memref_slice %arg9[%dma_wait3A_682] : memref<8x!tpu.dma_semaphore, #tpu.memory_space<semaphore_mem>> -> memref<1x!tpu.dma_semaphore, #tpu.memory_space<semaphore_mem>>
    %dma_wait3A_690 = tpu.memref_squeeze %dma_wait3A_689 : memref<1x!tpu.dma_semaphore, #tpu.memory_space<semaphore_mem>> -> memref<!tpu.dma_semaphore, #tpu.memory_space<semaphore_mem>>
    %dma_wait3A_691 = arith.constant 0 : i32
    %dma_wait3A_692 = tpu.memref_slice %arg4[%add3A_552, %dma_wait3A_691] : memref<256x128xf32, #tpu.memory_space<hbm>> -> memref<1x128xf32, #tpu.memory_space<hbm>>
    %dma_wait3A_693 = tpu.memref_squeeze %dma_wait3A_692 : memref<1x128xf32, #tpu.memory_space<hbm>> -> memref<128xf32, #tpu.memory_space<hbm>>
    %dma_wait3A_694 = arith.constant 0 : i32
    %dma_wait3A_695 = tpu.memref_slice %arg6[%dma_wait3A_681, %dma_wait3A_694] : memref<8x128xf32, #tpu.memory_space<vmem>> -> memref<1x128xf32, #tpu.memory_space<vmem>>
    %dma_wait3A_696 = tpu.memref_squeeze %dma_wait3A_695 : memref<1x128xf32, #tpu.memory_space<vmem>> -> memref<128xf32, #tpu.memory_space<vmem>>
    tpu.wait_dma2 semaphore(%dma_wait3A_690 : memref<!tpu.dma_semaphore, #tpu.memory_space<semaphore_mem>>) src(%dma_wait3A_696 : memref<128xf32, #tpu.memory_space<vmem>>) dst(%dma_wait3A_693 : memref<128xf32, #tpu.memory_space<hbm>>)
    return
  }
}

</mosaic_0001>

<sc_bundles>
// kernel: _sc_gather.3.cloned.1.call-start
scs
__scs_entry_jumppad:
0x0: {  	(pc) =	sbr.rel $0x88, $3  }
0x1: {  	(tag) =	ssettag $0x0;
	lr =	simm.s32 $0x1  }
0x2: {  	[smem:$0x3F9F] =	sst lr;
	_ =	strace $0xD0000000  }
0x3: {  	_ = 	snop  }
0x4: {  	_ = 	snop  }
0x5: {  	_ = 	snop  }
0x6: {  	_ = 	snop  }
0x7: {  	_ = 	snop  }
__scs_overlays_trampoline_lowered:
0x8: {  	[smem:$0x3FAE] =	sst s0  }
0x9: {  	[smem:$0x3FAF] =	sst s1  }
0xa: {  	[smem:$0x3FB0] =	sst s2  }
0xb: {  	[smem:$0x3FB1] =	sst s3  }
0xc: {  	[smem:$0x3FB2] =	sst s4  }
0xd: {  	[smem:$0x3FB3] =	sst s5  }
0xe: {  	[smem:$0x3FB4] =	sst s6  }
0xf: {  	[smem:$0x3FB5] =	sst s7  }
0x10: {  	[smem:$0x3FB6] =	sst s8  }
0x11: {  	[smem:$0x3FB7] =	sst s9;
	s0 =	simm.s32 @!p0 $0x0  }
0x12: {  	s1 =	sld [smem:$0x3F9D];
	s0 =	simm.s32 @p0 $0x1  }
0x13: {  	[smem:$0x3FB8] =	sst s0;
	s0 =	simm.s32 @!p1 $0x0  }
0x14: {  	s2 =	sld [smem:$0x3F9C];
	s0 =	simm.s32 @p1 $0x1  }
0x15: {  	[smem:$0x3FB9] =	sst s0;
	s0 =	simm.s32 @!p2 $0x0  }
0x16: {  	s3 =	sld [smem:$0x3FDB];
	s0 =	simm.s32 @p2 $0x1  }
0x17: {  	s4 =	simm.s32 $0x1BF5;
	[smem:$0x3FBB] =	sst s0  }
0x18: {  	s0 =	sld [smem:$0x3F9E];
	_ =	swait.ge [sflag:s4], $0x0  }
0x19: {  	s7 =	sld [smem:$0x3F9F]  }
0x1a: {  	s8 =	sadd.s32 $0xFFFFE003, lr  }
0x1b: {  	s9 =	sadd.s32 $0xFFFFFEF7, lr;
	s5 =	simm.s32 $0xFFFFFFFF;
	p2 =	slt.u32 s8, $0xFFFFF086  }
0x1c: {  	p1 =	slt.u32 s9, $0xF7A;
	s5 =	simm.s32 @!p2 $0x0  }
0x1d: {  	s5 =	simm.s32 @p1 $0x1;
	p0 =	seq.s32 s7, s2  }
0x1e: {  	s7 =	smul.u32 @!p0 $0xF7A, s2;
	p2 =	seq.s32 @!p0 s5, $0x0  }
0x1f: {  	s9 =	smul.u32 $0xF7A, s1;
	s8 =	simm.s32 @!p0 $0x1BF5;
	p2 =	por !p2, p0  }
0x20: {  	[sflag:s8] =	ssyncset.s32 @!p0 $0xFFFFF086;
	s6 =	sadd.s32 @!p0 s3, s7;
	s7 =	simm.s32 @!p0 $0x108  }
0x21: {  	s3 =	sadd.s32 s3, s9;
	s6 =	sadd.s32 @!p0 $0x88, s6;
	s7 =	simm.s32 @p2 $0x1082  }
0x22: {  	[simem:s7], [sflag:s8] =	dma.local @!p0 [hbm:s6], $0xF7A  }
0x23: {  	s9 =	sor.u32 $0xD0000000, s2;
	s6 =	simm.s32 $0x108;
	_ =	swait.ge @!p0 [sflag:s8], $0x0  }
0x24: {  	s3 =	sadd.s32 $0x88, s3;
	s6 =	simm.s32 @!p1 $0x1082;
	[sflag:s4] =	ssyncset.s32 $0xFFFFF086  }
0x25: {  	[simem:s6], [sflag:s4] =	dma.local [hbm:s3], $0xF7A  }
0x26: {  	[smem:$0x3F9F] =	sst s1;
	(tag) =	ssettag s2;
	_ =	strace s9  }
0x27: {  	s1 =	sld [smem:$0x3FAF]  }
0x28: {  	s2 =	sld [smem:$0x3FB0]  }
0x29: {  	s4 =	sld [smem:$0x3FB2]  }
0x2a: {  	p0 =	seq.s32 s5, $0x0;
	s5 =	sld [smem:$0x3FB3]  }
0x2b: {  	s6 =	sld [smem:$0x3FB4]  }
0x2c: {  	s7 =	sld [smem:$0x3FB5]  }
0x2d: {  	s3 =	simm.s32 $0x108;
	s8 =	sld [smem:$0x3FB6]  }
0x2e: {  	s3 =	simm.s32 @!p0 $0x1082;
	s9 =	sld [smem:$0x3FB7]  }
0x2f: {  	lr =	sadd.s32 s0, s3;
	s0 =	sld [smem:$0x3FAE]  }
0x30: {  	s3 =	sld [smem:$0x3FB1]  }
0x31: {  	[smem:$0x3FBA] =	sst s10  }
0x32: {  	s10 =	sld [smem:$0x3FB8];
	_ =	sdelay $0x3  }
0x33: {  	p0 =	seq.s32 s10, $0x1;
	s10 =	sld [smem:$0x3FBA];
	_ =	sdelay $0x3  }
0x34: {  	[smem:$0x3FBA] =	sst s10  }
0x35: {  	s10 =	sld [smem:$0x3FB9];
	_ =	sdelay $0x3  }
0x36: {  	p1 =	seq.s32 s10, $0x1;
	s10 =	sld [smem:$0x3FBA];
	_ =	sdelay $0x3  }
0x37: {  	[smem:$0x3FBA] =	sst s10  }
0x38: {  	s10 =	sld [smem:$0x3FBB]  }
0x39: {  	_ = 	snop;
	(pc) =	sbr.ind lr, $3  }
0x3a: {  	_ = 	snop  }
0x3b: {  	_ = 	snop  }
0x3c: {  	p2 =	seq.s32 s10, $0x1;
	s10 =	sld [smem:$0x3FBA]  }
0x3d: {  	_ =	shalt  }
0x3e: {  	_ =	shalt  }
0x3f: {  	_ =	shalt  }
0x40: {  	_ =	shalt  }
0x41: {  	_ =	shalt  }
0x42: {  	_ =	shalt  }
0x43: {  	_ =	shalt  }
0x44: {  	_ =	shalt  }
0x45: {  	_ =	shalt  }
0x46: {  	_ =	shalt  }
0x47: {  	_ =	shalt  }
0x48: {  	_ =	shalt  }
0x49: {  	_ =	shalt  }
0x4a: {  	_ =	shalt  }
0x4b: {  	_ =	shalt  }
0x4c: {  	_ =	shalt  }
0x4d: {  	_ =	shalt  }
0x4e: {  	_ =	shalt  }
0x4f: {  	_ =	shalt  }
0x50: {  	_ =	shalt  }
0x51: {  	_ =	shalt  }
0x52: {  	_ =	shalt  }
0x53: {  	_ =	shalt  }
0x54: {  	_ =	shalt  }
0x55: {  	_ =	shalt  }
0x56: {  	_ =	shalt  }
0x57: {  	_ =	shalt  }
0x58: {  	_ =	shalt  }
0x59: {  	_ =	shalt  }
0x5a: {  	_ =	shalt  }
0x5b: {  	_ =	shalt  }
0x5c: {  	_ =	shalt  }
0x5d: {  	_ =	shalt  }
0x5e: {  	_ =	shalt  }
0x5f: {  	_ =	shalt  }
0x60: {  	_ =	shalt  }
0x61: {  	_ =	shalt  }
0x62: {  	_ =	shalt  }
0x63: {  	_ =	shalt  }
0x64: {  	_ =	shalt  }
0x65: {  	_ =	shalt  }
0x66: {  	_ =	shalt  }
0x67: {  	_ =	shalt  }
0x68: {  	_ =	shalt  }
0x69: {  	_ =	shalt  }
0x6a: {  	_ =	shalt  }
0x6b: {  	_ =	shalt  }
0x6c: {  	_ =	shalt  }
0x6d: {  	_ =	shalt  }
0x6e: {  	_ =	shalt  }
0x6f: {  	_ =	shalt  }
0x70: {  	_ =	shalt  }
0x71: {  	_ =	shalt  }
0x72: {  	_ =	shalt  }
0x73: {  	_ =	shalt  }
0x74: {  	_ =	shalt  }
0x75: {  	_ =	shalt  }
0x76: {  	_ =	shalt  }
0x77: {  	_ =	shalt  }
0x78: {  	_ =	shalt  }
0x79: {  	_ =	shalt  }
0x7a: {  	_ =	shalt  }
0x7b: {  	_ =	shalt  }
0x7c: {  	_ =	shalt  }
0x7d: {  	_ =	shalt  }
0x7e: {  	_ =	shalt  }
0x7f: {  	_ =	shalt  }
0x80: {  	_ =	shalt  }
0x81: {  	_ =	shalt  }
0x82: {  	_ =	shalt  }
0x83: {  	_ =	shalt  }
0x84: {  	_ =	shalt  }
0x85: {  	_ =	shalt  }
0x86: {  	_ =	shalt  }
0x87: {  	_ =	shalt  }
.Lfunc_end0:
.L_simem_size_0:
called_computation_lowered:
.L_overlay_start_0:
0x88: {  	s2 =	sld [smem:$0x3FD9]  }
0x89: {  	s3 =	sld [smem:$0x3FFE];
	_ =	sdelay $0x1  }
0x8a: {  	s1 =	srdreg.scid  }
0x8b: {  	s0 =	sand.u32 $0x1, s1  }
0x8c: {  	s18 =	sshll.u32 s0, $0xA;
	s2 =	sadd.s32 s3, s2  }
0x8d: {  	s2 =	sadd.s32 s2, s18  }
0x8e: {  	[smem:$0x3FC6] =	sst s2  }
0x8f: {  	_ = 	snop  }
0x90: {  	s2 =	sld [smem:$0x3FC9]  }
0x91: {  	s19 =	sld [smem:$0x3FC8]  }
0x92: {  	s4 =	sld [smem:$0x3FD0];
	(tm) =	ssettm $0x1  }
0x93: {  	s5 =	sld [smem:$0x3FFB];
	_ =	sdelay $0x3  }
0x94: {  	_ =	strace s5  }
0x95: {  	s5 =	sld [smem:$0x3FFC];
	_ =	sdelay $0x3  }
0x96: {  	_ =	strace s5  }
0x97: {  	s5 =	sld [smem:$0x3FFD];
	_ =	sdelay $0x3  }
0x98: {  	_ =	strace s5  }
0x99: {  	_ =	strace $0x8FFFFFFF  }
0x9a: {  	s20 =	sld [smem:$0x3FDB];
	_ =	sdelay $0x1  }
0x9b: {  	s6 =	simm.s32 $_scs_section_size  }
0x9c: {  	s7 =	simm.s32 $_size__tile_overlayer_lowered;
	s8 =	simm.s32 $_tile_overlayer_lowered  }
0x9d: {  	s23 =	simm.s32 $0x1BFF;
	s22 =	sshll.u32 s8, $0x1;
	s5 =	sadd.s32 s6, s20  }
0x9e: {  	s9 =	simm.s32 $0x0;
	s21 =	sshll.u32 s7, $0x1;
	s7 =	sadd.s32 s22, s5  }
0x9f: {  	[timem:s9], [sflag:s23] =	dma.local [hbm:s7], s21  }
0xa0: {  	_ =	swait.ge [sflag:s23], s21  }
0xa1: {  	s6 =	ssub.s32 $0x0, s21;
	[sflag:s23] =	ssyncset.done $0x0  }
0xa2: {  	[sflag:s23] =	ssyncadd.s32 s6;
	_ =	sdelay $0x1  }
0xa3: {  	s24 =	simm.s32 $0x1B8B  }
0xa4: {  	_ =	swait.ge [sflag:s24], $0x1  }
0xa5: {  	[sflag:s24] =	ssyncset.done $0x0  }
0xa6: {  	s25 =	simm.s32 $0x1B8E;
	[sflag:s24] =	ssyncadd.s32 $0xFFFFFFFF  }
0xa7: {  	s26 =	simm.s32 $execute0_lowered;
	[smem:$0x3FD2] =	sst s25  }
0xa8: {  	s6 =	sshll.u32 s26, $0x1;
	_ =	strace $0x80000046;
	[dreg:$0x1] =	wrdreg $0xFFFFFFFF  }
0xa9: {  	s28 =	simm.s32 $_size_execute0_lowered;
	s5 =	sadd.s32 s5, s6;
	[dreg:$0x0] =	wrdreg $0x0  }
0xaa: {  	s6 =	sshll.u32 s28, $0x1;
	[dreg:$0x2] =	wrdreg s5  }
0xab: {  	[dreg:$0x3] =	wrdreg s6  }
0xac: {  	[dreg:$0x4] =	wrdreg $0xC0  }
0xad: {  	_ =	task [dreg:s9], $0x5FFFF  }
0xae: {  	[dreg:$0x1] =	wrdreg $0xFFFFFFFF  }
0xaf: {  	[dreg:$0x0] =	wrdreg $0x60  }
0xb0: {  	[dreg:$0x2] =	wrdreg s2  }
0xb1: {  	[dreg:$0x3] =	wrdreg s19  }
0xb2: {  	[dreg:$0x4] =	wrdreg s4  }
0xb3: {  	[dreg:$0x5] =	wrdreg $0x9  }
0xb4: {  	_ =	task.clear_ibuf [dreg:s9], $0x6FFFF;
	_ =	strace $0x90000046  }
0xb5: {  	s29 =	simm.s32 $0x9;
	_ =	strace $0x80000048  }
0xb6: {  	_ =	swait.ge [sflag:s29], $0x1  }
0xb7: {  	[sflag:s29] =	ssyncadd.s32 $0xFFFFFFFF  }
0xb8: {  	_ =	strace $0x90000048  }
0xb9: {  	_ =	sfence  }
0xba: {  	s30 =	sld [smem:$0x0];
	_ =	sdelay $0x2  }
0xbb: {  	s31 =	sshll.u32 s1, $0xD;
	s1 =	sshrl.u32 s1, $0x2  }
0xbc: {  	s3 =	sand.u32 $0x4000, s31;
	s1 =	sadd.s32 s1, s30  }
0xbd: {  	s0 =	sor.u32 s3, s0;
	s1 =	sshll.u32 s1, $0x11  }
0xbe: {  	s0 =	sor.u32 s1, s0  }
0xbf: {  	s0 =	sadd.s32 $0x8F2B, s0  }
0xc0: {  	[sflag:s0] =	ssyncadd.remote.s32 $0x1  }
0xc1: {  	_ =	sfence.sel $0xFFFF  }
0xc2: {  	[dreg:$0x0] =	wrdreg $0xFFFFFFFF;
	(pc) =	sbr.abs _section_cstart, $3  }
0xc3: {  	[dreg:$0x1] =	wrdreg $0xFFFFFFFF  }
0xc4: {  	_ =	task.clear_ibuf [dreg:s9], $0x2FFFF;
	_ =	strace $0x9FFFFFFF  }
0xc5: {  	(tm) =	ssettm $0x7FFFFFFF  }
tec
execute0_lowered:
.L_overlay_start_1:
0x0: {  	(tag) =	ssettag $0x1  }
0x1: {  	s1 =	rddreg [dreg:$0x0]  }
0x2: {  	s3 =	rddreg [dreg:$0x1];
	s6 =	stileid.u32  }
0x3: {  	s4 =	rddreg [dreg:$0x2];
	s0 =	srdreg.scid  }
0x4: {  	s11 =	simm.s32 $0x180;
	s12 =	simm.s32 $0x280;
	s2 =	sshll.u32 s6, $0x1  }
0x5: {  	s13 =	simm.s32 $0x300;
	s5 =	sand.u32 $0x2, s2;
	s2 =	simm.s32 $0x0  }
0x6: {  	s14 =	simm.s32 $0x380;
	s0 =	sand.u32 $0x1, s0;
	[smem:$0x7FF] =	sst s2  }
0x7: {  	s6 =	sshrl.u32 s6, $0x1;
	_ =	strace $0x80000047;
	[dreg:$0x14] =	wrdreg s11  }
0x8: {  	s8 =	sshll.u32 s6, $0xB;
	s5 =	sor.u32 s0, s5;
	[dreg:$0x15] =	wrdreg s12  }
0x9: {  	s7 =	sshll.u32 s5, $0x7;
	s5 =	sshll.u32 s5, $0x11;
	[dreg:$0x16] =	wrdreg s13  }
0xa: {  	[dreg:$0x17] =	wrdreg s14;
	s15 =	sor.u32 s8, s5;
	s8 =	simm.s32 $0x100  }
0xb: {  	s9 =	sadd.s32 s3, s7;
	[dreg:$0x13] =	wrdreg s8  }
0xc: {  	s16 =	sadd.s32 $0x40, s9;
	s10 =	sadd.s32 s1, s15;
	[dreg:$0x18] =	wrdreg s9  }
0xd: {  	[tilespmem:s2], [sflag:$0x1] =	stream.linear.gather [hbm4b:s9+s2], $0x200, $0x38;
	[tilespmem:$0x800] =	vst v63  }
0xe: {  	[dreg:$0x4] =	wrdreg s16;
	s1 =	sadd.s32 $0x4000, s10  }
0xf: {  	s17 =	sadd.s32 $0x8000, s10;
	[dreg:$0x5] =	wrdreg s1  }
0x10: {  	s18 =	sadd.s32 $0xC000, s10;
	[dreg:$0x6] =	wrdreg s17  }
0x11: {  	s19 =	sadd.s32 $0x10000, s10;
	[dreg:$0x7] =	wrdreg s18  }
0x12: {  	s21 =	sshll.u32 s6, $0x9;
	s20 =	sadd.s32 $0x14000, s10;
	[dreg:$0x8] =	wrdreg s19  }
0x13: {  	s3 =	sor.u32 s21, s7;
	s22 =	sadd.s32 $0x18000, s10;
	[dreg:$0x9] =	wrdreg s20  }
0x14: {  	s5 =	sadd.s32 s4, s3;
	s23 =	sadd.s32 $0x1C000, s10;
	[dreg:$0xa] =	wrdreg s22  }
0x15: {  	s24 =	sadd.s32 $0x10, s5;
	[dreg:$0xb] =	wrdreg s23  }
0x16: {  	s25 =	sadd.s32 $0x20, s5;
	[dreg:$0xc] =	wrdreg s24  }
0x17: {  	s26 =	sadd.s32 $0x30, s5;
	[dreg:$0xd] =	wrdreg s25  }
0x18: {  	s3 =	sadd.s32 $0x40, s5;
	[dreg:$0xe] =	wrdreg s26  }
0x19: {  	s4 =	sadd.s32 $0x50, s5;
	[dreg:$0xf] =	wrdreg s3  }
0x1a: {  	s6 =	sadd.s32 $0x60, s5;
	[dreg:$0x10] =	wrdreg s4  }
0x1b: {  	s7 =	sadd.s32 $0x70, s5;
	[dreg:$0x11] =	wrdreg s6  }
0x1c: {  	[dreg:$0x12] =	wrdreg s7  }
0x1d: {  	s16 =	simm.s32 $0x200;
	s15 =	rddreg [dreg:$0x4];
	s18 =	simm.s32 $0x1  }
0x1e: {  	[tilespmem:s16], [sflag:$0x2] =	stream.linear.gather [hbm4b:s15+s2], $0x200, $0x38;
	[tilespmem:$0x800] =	vst v63  }
0x1f: {  	_ =	swait.ge [sflag:s18], $0x200;
	[dreg:$0x19] =	wrdreg s10  }
0x20: {  	s21 =	simm.s32 $0x400;
	s19 =	rddreg [dreg:$0x6];
	[sflag:s18] =	ssyncset.done $0x0  }
0x21: {  	s8 =	simm.s32 $0x80;
	s20 =	rddreg [dreg:$0x5];
	[sflag:s18] =	ssyncadd.s32 $0xFFFFFE00  }
0x22: {  	[tilespmem:s21], [sflag:$0x3] =	stream.indirect.gather [hbm4b:s10+s8], $0x1, s2, s8, $0xb8;
	[tilespmem:$0x800] =	vst v63  }
0x23: {  	s23 =	simm.s32 $0x480;
	s22 =	rddreg [dreg:$0x13]  }
0x24: {  	[tilespmem:s23], [sflag:$0x4] =	stream.indirect.gather [hbm4b:s20+s8], $0x1, s8, s8, $0xb8;
	[tilespmem:$0x800] =	vst v63  }
0x25: {  	s11 =	simm.s32 $0x500;
	s14 =	rddreg [dreg:$0x14]  }
0x26: {  	[tilespmem:s11], [sflag:$0x5] =	stream.indirect.gather [hbm4b:s19+s8], $0x1, s22, s8, $0xb8;
	[tilespmem:$0x800] =	vst v63  }
0x27: {  	s12 =	simm.s32 $0x580;
	s13 =	simm.s32 $0x2;
	s26 =	rddreg [dreg:$0x7]  }
0x28: {  	[tilespmem:s12], [sflag:$0x6] =	stream.indirect.gather [hbm4b:s26+s8], $0x1, s14, s8, $0xb8;
	[tilespmem:$0x800] =	vst v63  }
0x29: {  	_ =	swait.ge [sflag:s13], $0x200  }
0x2a: {  	s3 =	rddreg [dreg:$0x9]  }
0x2b: {  	s7 =	rddreg [dreg:$0x15]  }
0x2c: {  	s14 =	rddreg [dreg:$0x8];
	[sflag:s13] =	ssyncset.done $0x0  }
0x2d: {  	s15 =	simm.s32 $0x600;
	s17 =	rddreg [dreg:$0x16];
	[sflag:s13] =	ssyncadd.s32 $0xFFFFFE00  }
0x2e: {  	[tilespmem:s15], [sflag:$0x7] =	stream.indirect.gather [hbm4b:s14+s8], $0x1, s16, s8, $0xb8;
	[tilespmem:$0x800] =	vst v63  }
0x2f: {  	s19 =	rddreg [dreg:$0x17];
	s16 =	simm.s32 $0x680  }
0x30: {  	[tilespmem:s16], [sflag:$0x8] =	stream.indirect.gather [hbm4b:s3+s8], $0x1, s7, s8, $0xb8;
	[tilespmem:$0x800] =	vst v63  }
0x31: {  	s25 =	simm.s32 $0x700;
	s24 =	rddreg [dreg:$0xa]  }
0x32: {  	[tilespmem:s25], [sflag:$0x9] =	stream.indirect.gather [hbm4b:s24+s8], $0x1, s17, s8, $0xb8;
	[tilespmem:$0x800] =	vst v63  }
0x33: {  	s18 =	simm.s32 $0x3;
	s26 =	rddreg [dreg:$0xb];
	s7 =	simm.s32 $0x780  }
0x34: {  	[tilespmem:s7], [sflag:$0xA] =	stream.indirect.gather [hbm4b:s26+s8], $0x1, s19, s8, $0xb8;
	[tilespmem:$0x800] =	vst v63  }
0x35: {  	_ =	swait.ge [sflag:s18], $0x80  }
0x36: {  	[sflag:s18] =	ssyncset.done $0x0  }
0x37: {  	s19 =	simm.s32 $0x4;
	[dreg:$0x1a] =	wrdreg s5;
	[sflag:s18] =	ssyncadd.s32 $0xFFFFFF80  }
0x38: {  	[hbm4b:s5+s2] =	stream.linear.scatter [tilespmem:s21], [sflag:$0xB], $0x80, $0x38;
	[tilespmem:$0x800] =	vst v63  }
0x39: {  	_ =	swait.ge [sflag:s19], $0x80  }
0x3a: {  	[sflag:s19] =	ssyncset.done $0x0  }
0x3b: {  	s20 =	simm.s32 $0x5;
	s9 =	rddreg [dreg:$0xc];
	[sflag:s19] =	ssyncadd.s32 $0xFFFFFF80  }
0x3c: {  	[hbm4b:s9+s2] =	stream.linear.scatter [tilespmem:s23], [sflag:$0xC], $0x80, $0x38;
	[tilespmem:$0x800] =	vst v63  }
0x3d: {  	_ =	swait.ge [sflag:s20], $0x80  }
0x3e: {  	[sflag:s20] =	ssyncset.done $0x0  }
0x3f: {  	s21 =	simm.s32 $0x6;
	s10 =	rddreg [dreg:$0xd];
	[sflag:s20] =	ssyncadd.s32 $0xFFFFFF80  }
0x40: {  	[hbm4b:s10+s2] =	stream.linear.scatter [tilespmem:s11], [sflag:$0xD], $0x80, $0x38;
	[tilespmem:$0x800] =	vst v63  }
0x41: {  	_ =	swait.ge [sflag:s21], $0x80  }
0x42: {  	[sflag:s21] =	ssyncset.done $0x0  }
0x43: {  	s22 =	simm.s32 $0x7;
	s11 =	rddreg [dreg:$0xe];
	[sflag:s21] =	ssyncadd.s32 $0xFFFFFF80  }
0x44: {  	[hbm4b:s11+s2] =	stream.linear.scatter [tilespmem:s12], [sflag:$0xE], $0x80, $0x38;
	[tilespmem:$0x800] =	vst v63  }
0x45: {  	_ =	swait.ge [sflag:s22], $0x80  }
0x46: {  	[sflag:s22] =	ssyncset.done $0x0  }
0x47: {  	s23 =	simm.s32 $0x8;
	s12 =	rddreg [dreg:$0xf];
	[sflag:s22] =	ssyncadd.s32 $0xFFFFFF80  }
0x48: {  	[hbm4b:s12+s2] =	stream.linear.scatter [tilespmem:s15], [sflag:$0xF], $0x80, $0x38;
	[tilespmem:$0x800] =	vst v63  }
0x49: {  	_ =	swait.ge [sflag:s23], $0x80  }
0x4a: {  	[sflag:s23] =	ssyncset.done $0x0  }
0x4b: {  	s24 =	simm.s32 $0x9;
	s14 =	rddreg [dreg:$0x10];
	[sflag:s23] =	ssyncadd.s32 $0xFFFFFF80  }
0x4c: {  	[hbm4b:s14+s2] =	stream.linear.scatter [tilespmem:s16], [sflag:$0x10], $0x80, $0x38;
	[tilespmem:$0x800] =	vst v63  }
0x4d: {  	_ =	swait.ge [sflag:s24], $0x80  }
0x4e: {  	[sflag:s24] =	ssyncset.done $0x0  }
0x4f: {  	s15 =	rddreg [dreg:$0x11];
	[sflag:s24] =	ssyncadd.s32 $0xFFFFFF80  }
0x50: {  	[hbm4b:s15+s2] =	stream.linear.scatter [tilespmem:s25], [sflag:$0x11], $0x80, $0x38;
	[tilespmem:$0x800] =	vst v63  }
0x51: {  	s25 =	simm.s32 $0xA  }
0x52: {  	_ =	swait.ge [sflag:s25], $0x80  }
0x53: {  	[sflag:s25] =	ssyncset.done $0x0  }
0x54: {  	s26 =	simm.s32 $0xB;
	s16 =	rddreg [dreg:$0x12];
	[sflag:s25] =	ssyncadd.s32 $0xFFFFFF80  }
0x55: {  	[hbm4b:s16+s2] =	stream.linear.scatter [tilespmem:s7], [sflag:$0x12], $0x80, $0x38;
	[tilespmem:$0x800] =	vst v63  }
0x56: {  	_ =	swait.ge [sflag:s26], $0x80  }
0x57: {  	[sflag:s26] =	ssyncset.done $0x0  }
0x58: {  	s28 =	simm.s32 $0xC;
	[sflag:s26] =	ssyncadd.s32 $0xFFFFFF80  }
0x59: {  	_ =	swait.ge [sflag:s28], $0x80  }
0x5a: {  	[sflag:s28] =	ssyncset.done $0x0  }
0x5b: {  	s29 =	simm.s32 $0xD;
	[sflag:s28] =	ssyncadd.s32 $0xFFFFFF80  }
0x5c: {  	_ =	swait.ge [sflag:s29], $0x80  }
0x5d: {  	[sflag:s29] =	ssyncset.done $0x0  }
0x5e: {  	s30 =	simm.s32 $0xE;
	[sflag:s29] =	ssyncadd.s32 $0xFFFFFF80  }
0x5f: {  	_ =	swait.ge [sflag:s30], $0x80  }
0x60: {  	s0 =	ssub.s32 $0x2, s0;
	[sflag:s30] =	ssyncset.done $0x0  }
0x61: {  	s31 =	simm.s32 $0xF;
	s17 =	sshrl.u32 s0, $0x1;
	[sflag:s30] =	ssyncadd.s32 $0xFFFFFF80  }
0x62: {  	s0 =	ssub.s32 s0, s17;
	_ =	swait.ge [sflag:s31], $0x80  }
0x63: {  	s3 =	smax.u32 s0, $0x1;
	[sflag:s31] =	ssyncset.done $0x0  }
0x64: {  	s1 =	simm.s32 $0x10;
	p0 =	sne.s32 s3, $0x1;
	[sflag:s31] =	ssyncadd.s32 $0xFFFFFF80  }
.Ltmp0:
0x65: {  	_ =	swait.ge [sflag:s1], $0x80;
	(pc) =	sbr.rel @!p0 .LBB2_3-.Ltmp0, $4  }
0x66: {  	[sflag:s1] =	ssyncset.done $0x0  }
0x67: {  	s0 =	simm.s32 $0x11;
	[sflag:s1] =	ssyncadd.s32 $0xFFFFFF80  }
0x68: {  	_ =	swait.ge [sflag:s0], $0x80  }
0x69: {  	s4 =	sadd.s32 $0xFFFFFFFF, s3;
	s3 =	simm.s32 $0x12;
	[sflag:s0] =	ssyncset.done $0x0  }
0x6a: {  	s15 =	simm.s32 $0x400;
	s16 =	simm.s32 $0x480  }
0x6b: {  	s17 =	simm.s32 $0x500;
	s12 =	simm.s32 $0x580;
	s7 =	simm.s32 $0x600  }
.LBB2_2:
0x6c: {  	[sflag:s0] =	ssyncadd.s32 $0xFFFFFF80  }
0x6d: {  	_ =	swait.ge [sflag:s3], $0x80  }
0x6e: {  	[sflag:s3] =	ssyncset.done $0x0  }
0x6f: {  	s6 =	rddreg [dreg:$0x18];
	[sflag:s3] =	ssyncadd.s32 $0xFFFFFF80  }
0x70: {  	[tilespmem:s2], [sflag:$0x1] =	stream.linear.gather [hbm4b:s6+s2], $0x200, $0x38;
	[tilespmem:$0x800] =	vst v63  }
0x71: {  	s14 =	simm.s32 $0x200;
	s10 =	simm.s32 $0x1;
	s5 =	rddreg [dreg:$0x4]  }
0x72: {  	[tilespmem:s14], [sflag:$0x2] =	stream.linear.gather [hbm4b:s5+s2], $0x200, $0x38;
	[tilespmem:$0x800] =	vst v63  }
0x73: {  	_ =	swait.ge [sflag:s10], $0x200  }
0x74: {  	s5 =	rddreg [dreg:$0x6]  }
0x75: {  	[sflag:s10] =	ssyncset.done $0x0;
	s11 =	rddreg [dreg:$0x5]  }
0x76: {  	[sflag:s10] =	ssyncadd.s32 $0xFFFFFE00;
	s10 =	rddreg [dreg:$0x19]  }
0x77: {  	[tilespmem:s15], [sflag:$0x3] =	stream.indirect.gather [hbm4b:s10+s8], $0x1, s2, s8, $0xb8;
	[tilespmem:$0x800] =	vst v63  }
0x78: {  	s9 =	rddreg [dreg:$0x13]  }
0x79: {  	[tilespmem:s16], [sflag:$0x4] =	stream.indirect.gather [hbm4b:s11+s8], $0x1, s8, s8, $0xb8;
	[tilespmem:$0x800] =	vst v63  }
0x7a: {  	s10 =	rddreg [dreg:$0x14]  }
0x7b: {  	[tilespmem:s17], [sflag:$0x5] =	stream.indirect.gather [hbm4b:s5+s8], $0x1, s9, s8, $0xb8;
	[tilespmem:$0x800] =	vst v63  }
0x7c: {  	s11 =	rddreg [dreg:$0x7]  }
0x7d: {  	[tilespmem:s12], [sflag:$0x6] =	stream.indirect.gather [hbm4b:s11+s8], $0x1, s10, s8, $0xb8;
	[tilespmem:$0x800] =	vst v63  }
0x7e: {  	_ =	swait.ge [sflag:s13], $0x200  }
0x7f: {  	s5 =	rddreg [dreg:$0x9]  }
0x80: {  	s6 =	rddreg [dreg:$0x15]  }
0x81: {  	[sflag:s13] =	ssyncset.done $0x0;
	s9 =	rddreg [dreg:$0x8]  }
0x82: {  	s10 =	rddreg [dreg:$0x16];
	[sflag:s13] =	ssyncadd.s32 $0xFFFFFE00  }
0x83: {  	[tilespmem:s7], [sflag:$0x7] =	stream.indirect.gather [hbm4b:s9+s8], $0x1, s14, s8, $0xb8;
	[tilespmem:$0x800] =	vst v63  }
0x84: {  	s11 =	rddreg [dreg:$0x17];
	s14 =	simm.s32 $0x680  }
0x85: {  	[tilespmem:s14], [sflag:$0x8] =	stream.indirect.gather [hbm4b:s5+s8], $0x1, s6, s8, $0xb8;
	[tilespmem:$0x800] =	vst v63  }
0x86: {  	s9 =	rddreg [dreg:$0xa];
	s6 =	simm.s32 $0x700  }
0x87: {  	[tilespmem:s6], [sflag:$0x9] =	stream.indirect.gather [hbm4b:s9+s8], $0x1, s10, s8, $0xb8;
	[tilespmem:$0x800] =	vst v63  }
0x88: {  	s5 =	rddreg [dreg:$0xb];
	s9 =	simm.s32 $0x780  }
0x89: {  	[tilespmem:s9], [sflag:$0xA] =	stream.indirect.gather [hbm4b:s5+s8], $0x1, s11, s8, $0xb8;
	[tilespmem:$0x800] =	vst v63  }
0x8a: {  	_ =	swait.ge [sflag:s18], $0x80  }
0x8b: {  	[sflag:s18] =	ssyncset.done $0x0  }
0x8c: {  	s11 =	rddreg [dreg:$0x1a];
	[sflag:s18] =	ssyncadd.s32 $0xFFFFFF80  }
0x8d: {  	[hbm4b:s11+s2] =	stream.linear.scatter [tilespmem:s15], [sflag:$0xB], $0x80, $0x38;
	[tilespmem:$0x800] =	vst v63  }
0x8e: {  	_ =	swait.ge [sflag:s19], $0x80  }
0x8f: {  	[sflag:s19] =	ssyncset.done $0x0  }
0x90: {  	s10 =	rddreg [dreg:$0xc];
	[sflag:s19] =	ssyncadd.s32 $0xFFFFFF80  }
0x91: {  	[hbm4b:s10+s2] =	stream.linear.scatter [tilespmem:s16], [sflag:$0xC], $0x80, $0x38;
	[tilespmem:$0x800] =	vst v63  }
0x92: {  	_ =	swait.ge [sflag:s20], $0x80  }
0x93: {  	[sflag:s20] =	ssyncset.done $0x0  }
0x94: {  	s11 =	rddreg [dreg:$0xd];
	[sflag:s20] =	ssyncadd.s32 $0xFFFFFF80  }
0x95: {  	[hbm4b:s11+s2] =	stream.linear.scatter [tilespmem:s17], [sflag:$0xD], $0x80, $0x38;
	[tilespmem:$0x800] =	vst v63  }
0x96: {  	_ =	swait.ge [sflag:s21], $0x80  }
0x97: {  	[sflag:s21] =	ssyncset.done $0x0  }
0x98: {  	s10 =	rddreg [dreg:$0xe];
	[sflag:s21] =	ssyncadd.s32 $0xFFFFFF80  }
0x99: {  	[hbm4b:s10+s2] =	stream.linear.scatter [tilespmem:s12], [sflag:$0xE], $0x80, $0x38;
	[tilespmem:$0x800] =	vst v63  }
0x9a: {  	_ =	swait.ge [sflag:s22], $0x80  }
0x9b: {  	[sflag:s22] =	ssyncset.done $0x0  }
0x9c: {  	s11 =	rddreg [dreg:$0xf];
	[sflag:s22] =	ssyncadd.s32 $0xFFFFFF80  }
0x9d: {  	[hbm4b:s11+s2] =	stream.linear.scatter [tilespmem:s7], [sflag:$0xF], $0x80, $0x38;
	[tilespmem:$0x800] =	vst v63  }
0x9e: {  	_ =	swait.ge [sflag:s23], $0x80  }
0x9f: {  	[sflag:s23] =	ssyncset.done $0x0  }
0xa0: {  	s10 =	rddreg [dreg:$0x10];
	[sflag:s23] =	ssyncadd.s32 $0xFFFFFF80  }
0xa1: {  	[hbm4b:s10+s2] =	stream.linear.scatter [tilespmem:s14], [sflag:$0x10], $0x80, $0x38;
	[tilespmem:$0x800] =	vst v63  }
0xa2: {  	_ =	swait.ge [sflag:s24], $0x80  }
0xa3: {  	[sflag:s24] =	ssyncset.done $0x0  }
0xa4: {  	s11 =	rddreg [dreg:$0x11];
	[sflag:s24] =	ssyncadd.s32 $0xFFFFFF80  }
0xa5: {  	[hbm4b:s11+s2] =	stream.linear.scatter [tilespmem:s6], [sflag:$0x11], $0x80, $0x38;
	[tilespmem:$0x800] =	vst v63  }
0xa6: {  	_ =	swait.ge [sflag:s25], $0x80  }
0xa7: {  	[sflag:s25] =	ssyncset.done $0x0  }
0xa8: {  	s14 =	rddreg [dreg:$0x12];
	[sflag:s25] =	ssyncadd.s32 $0xFFFFFF80  }
0xa9: {  	[hbm4b:s14+s2] =	stream.linear.scatter [tilespmem:s9], [sflag:$0x12], $0x80, $0x38;
	[tilespmem:$0x800] =	vst v63  }
0xaa: {  	_ =	swait.ge [sflag:s26], $0x80  }
0xab: {  	[sflag:s26] =	ssyncset.done $0x0  }
0xac: {  	[sflag:s26] =	ssyncadd.s32 $0xFFFFFF80  }
0xad: {  	_ =	swait.ge [sflag:s28], $0x80  }
0xae: {  	[sflag:s28] =	ssyncset.done $0x0  }
0xaf: {  	[sflag:s28] =	ssyncadd.s32 $0xFFFFFF80  }
0xb0: {  	_ =	swait.ge [sflag:s29], $0x80  }
0xb1: {  	[sflag:s29] =	ssyncset.done $0x0  }
0xb2: {  	[sflag:s29] =	ssyncadd.s32 $0xFFFFFF80  }
0xb3: {  	_ =	swait.ge [sflag:s30], $0x80  }
0xb4: {  	[sflag:s30] =	ssyncset.done $0x0  }
0xb5: {  	[sflag:s30] =	ssyncadd.s32 $0xFFFFFF80  }
0xb6: {  	_ =	swait.ge [sflag:s31], $0x80  }
0xb7: {  	[sflag:s31] =	ssyncset.done $0x0  }
0xb8: {  	p0 =	sne.s32 s4, $0x1;
	[sflag:s31] =	ssyncadd.s32 $0xFFFFFF80  }
.Ltmp1:
0xb9: {  	_ =	swait.ge [sflag:s1], $0x80;
	(pc) =	sbr.rel @p0 .LBB2_2-.Ltmp1, $4  }
0xba: {  	[sflag:s1] =	ssyncset.done $0x0  }
0xbb: {  	[sflag:s1] =	ssyncadd.s32 $0xFFFFFF80  }
0xbc: {  	_ =	swait.ge [sflag:s0], $0x80  }
0xbd: {  	s4 =	sadd.s32 $0xFFFFFFFF, s4;
	[sflag:s0] =	ssyncset.done $0x0  }
.LBB2_3:
0xbe: {  	[sflag:s0] =	ssyncadd.s32 $0xFFFFFF80  }
0xbf: {  	_ =	swait.ge [sflag:s3], $0x80  }
0xc0: {  	[sflag:s3] =	ssyncset.done $0x0  }
0xc1: {  	[sflag:s3] =	ssyncadd.s32 $0xFFFFFF80  }
0xc2: {  	_ =	sfence.sel $0x180000  }
0xc3: {  	[bflag:$0x0] =	sbarrier.arrive $0xFFFF  }
0xc4: {  	_ =	strace $0x90000047  }
0xc5: {  	s31 =	stileid.u32;
	[bflag:$0x2] =	sbarrier.arrive $0xFFFF  }
0xc6: {  	p0 =	sne.s32 s31, $0x0;
	s0 =	rddreg [dreg:$0x3]  }
0xc7: {  	s0 =	sadd.s32 @!p0 $0x100000, s0  }
0xc8: {  	[sflag:s0] =	ssyncadd.tile.s32 @!p0 $0x1;
	_ =	shalt  }
.Lfunc_end2:
_tile_overlayer_lowered:
.L_overlay_start_2:
0xc9: {  	(tag) =	ssettag $0x2  }
0xca: {  	s0 =	rddreg [dreg:$0x0];
	s2 =	stileid.u32  }
0xcb: {  	s1 =	rddreg [dreg:$0x1];
	p0 =	sne.s32 s2, $0x0  }
0xcc: {  	s3 =	rddreg [dreg:$0x2];
	[bflag:$0x3] =	sbarrier.arrive $0xFFFF;
	s2 =	simm.s32 @!p0 $0x1C13  }
0xcd: {  	[timem:s3], [sflag:s2] =	dma.local @!p0 [hbm:s0], s1  }
0xce: {  	s0 =	simm.s32 @!p0 $0x13  }
0xcf: {  	_ =	swait.ge @!p0 [sflag:s0], s1  }
0xd0: {  	s1 =	ssub.s32 @!p0 $0x0, s1;
	[sflag:s0] =	ssyncset.done @!p0 $0x0  }
0xd1: {  	[sflag:s0] =	ssyncadd.s32 @!p0 s1  }
0xd2: {  	[bflag:$0x3] =	sbarrier.arrive $0xFFFF  }
0xd3: {  	_ =	shalt  }

</sc_bundles>
